<compile_context>
chip_gen: v7x
topology: tpu7x:2x2x1
jax: 0.10.2.dev20260603
libtpu: 0.0.44.dev20260713+nightly
codegen_flags: <defaults>
</compile_context>

<pallas_src>
import functools

import jax
import jax.numpy as jnp
from jax import lax
from jax.experimental import pallas as pl
from jax.experimental.pallas import tpu as pltpu
from jax.experimental.pallas import tpu_sc as plsc

N = 10000
D = 256
HALF = 128
E = 160000

NC = 2
NS = 16
N_PAD = 10240
ROWS_PER_TILE = N_PAD // NS
EDGES_PER_TILE = E // NS
EPT_PAD = 10080
AGG_CHUNK = 56
AGG_ITERS = EPT_PAD // AGG_CHUNK
DEG_EDGES_PER_TILE = E // (NC * NS)
DEG_CHUNK = 40
DEG_ITERS = DEG_EDGES_PER_TILE // DEG_CHUNK

BR = 400
GRID = N // BR


def _mesh():
    return plsc.VectorSubcoreMesh(core_axis_name="c", subcore_axis_name="s")


def _sc_degree(dst4, ones_hbm, zeros_hbm):

    @functools.partial(
        pl.kernel,
        out_type=jax.ShapeDtypeStruct((NC, N_PAD, HALF), jnp.float32),
        mesh=_mesh(),
        scratch_types=[
            pltpu.VMEM((DEG_ITERS, DEG_CHUNK), jnp.int32),
            pltpu.VMEM((DEG_CHUNK, HALF), jnp.float32),
            pltpu.VMEM_SHARED((N_PAD, HALF), jnp.float32),
            pltpu.SemaphoreType.DMA,
        ],
    )
    def k(dst_r, ones_r, zeros_r, d_r, didx, ones_v, acc, sem):
        c = lax.axis_index("c")
        s = lax.axis_index("s")
        row0 = s * ROWS_PER_TILE
        pltpu.sync_copy(zeros_r, acc.at[pl.ds(row0, ROWS_PER_TILE)])
        pltpu.sync_copy(ones_r, ones_v)
        pltpu.sync_copy(dst_r.at[c, s], didx)
        plsc.subcore_barrier()

        def body(i, carry):
            pltpu.async_copy(ones_v, acc.at[didx.at[i]], sem, add=True)
            return carry

        lax.fori_loop(0, DEG_ITERS, body, 0)

        def drain(i, carry):
            pltpu.make_async_copy(ones_r, ones_v, sem).wait()
            return carry

        lax.fori_loop(0, DEG_ITERS, drain, 0)
        plsc.subcore_barrier()
        sl = pl.ds(row0, ROWS_PER_TILE)
        pltpu.sync_copy(acc.at[sl], d_r.at[c, sl])

    return k(dst4, ones_hbm, zeros_hbm)


def _sl(idx_ref, i):
    return idx_ref.at[pl.ds(i * AGG_CHUNK, AGG_CHUNK)]


def _sc_aggregate(src2, dst2, y, zeros_hbm):

    @functools.partial(
        pl.kernel,
        out_type=jax.ShapeDtypeStruct((NC, N_PAD, HALF), jnp.float32),
        mesh=_mesh(),
        scratch_types=[
            pltpu.VMEM((EPT_PAD,), jnp.int32),
            pltpu.VMEM((EPT_PAD,), jnp.int32),
            pltpu.VMEM((AGG_CHUNK, HALF), jnp.float32),
            pltpu.VMEM((AGG_CHUNK, HALF), jnp.float32),
            pltpu.VMEM((AGG_CHUNK, HALF), jnp.float32),
            pltpu.VMEM((AGG_CHUNK, HALF), jnp.float32),
            pltpu.VMEM_SHARED((N_PAD, HALF), jnp.float32),
            pltpu.SemaphoreType.DMA,
            pltpu.SemaphoreType.DMA,
            pltpu.SemaphoreType.DMA,
            pltpu.SemaphoreType.DMA,
        ],
    )
    def k(src_r, dst_r, y_r, z_r, o_r, sidx, didx, rows0, rows1, rows2, rows3,
          acc, sem0, sem1, sem2, sem3):
        c = lax.axis_index("c")
        s = lax.axis_index("s")
        row0 = s * ROWS_PER_TILE
        pltpu.sync_copy(src_r.at[pl.ds((c * NS + s) * EPT_PAD, EPT_PAD)], sidx)
        pltpu.sync_copy(dst_r.at[pl.ds(s * EPT_PAD, EPT_PAD)], didx)
        pltpu.sync_copy(z_r, acc.at[pl.ds(row0, ROWS_PER_TILE)])
        pltpu.async_copy(y_r.at[_sl(sidx, 0)], rows0, sem0)
        pltpu.async_copy(y_r.at[_sl(sidx, 1)], rows1, sem1)
        pltpu.async_copy(y_r.at[_sl(sidx, 2)], rows2, sem2)
        plsc.subcore_barrier()

        def wait(rows, sem):
            pltpu.make_async_copy(y_r.at[_sl(sidx, 0)], rows, sem).wait()

        def body(i, carry):
            i0 = 4 * i
            wait(rows0, sem0)
            pltpu.async_copy(y_r.at[_sl(sidx, i0 + 3)], rows3, sem3)
            pltpu.sync_copy(rows0, acc.at[_sl(didx, i0)], add=True)
            wait(rows1, sem1)
            pltpu.async_copy(y_r.at[_sl(sidx, i0 + 4)], rows0, sem0)
            pltpu.sync_copy(rows1, acc.at[_sl(didx, i0 + 1)], add=True)
            wait(rows2, sem2)
            pltpu.async_copy(y_r.at[_sl(sidx, i0 + 5)], rows1, sem1)
            pltpu.sync_copy(rows2, acc.at[_sl(didx, i0 + 2)], add=True)
            wait(rows3, sem3)
            pltpu.async_copy(y_r.at[_sl(sidx, i0 + 6)], rows2, sem2)
            pltpu.sync_copy(rows3, acc.at[_sl(didx, i0 + 3)], add=True)
            return carry

        lax.fori_loop(0, (AGG_ITERS - 4) // 4, body, 0)
        wait(rows0, sem0)
        pltpu.async_copy(y_r.at[_sl(sidx, AGG_ITERS - 1)], rows3, sem3)
        pltpu.sync_copy(rows0, acc.at[_sl(didx, AGG_ITERS - 4)], add=True)
        wait(rows1, sem1)
        pltpu.sync_copy(rows1, acc.at[_sl(didx, AGG_ITERS - 3)], add=True)
        wait(rows2, sem2)
        pltpu.sync_copy(rows2, acc.at[_sl(didx, AGG_ITERS - 2)], add=True)
        wait(rows3, sem3)
        pltpu.sync_copy(rows3, acc.at[_sl(didx, AGG_ITERS - 1)], add=True)
        plsc.subcore_barrier()
        sl = pl.ds(row0, ROWS_PER_TILE)
        pltpu.sync_copy(acc.at[sl], o_r.at[c, sl])

    return k(src2, dst2, y, zeros_hbm)


def _dis_block(d_r):
    d = d_r[0, :, 0:1] + d_r[1, :, 0:1]
    return jnp.where(d > 0, lax.rsqrt(d), 0.0)


_DEG_SPEC = pl.BlockSpec((NC, BR, HALF), lambda i: (0, i, 0))


def _tc_matmul1(x, W1):
    def body(x_r, w_r, y_r):
        y_r[...] = jnp.dot(x_r[...], w_r[...],
                           preferred_element_type=jnp.float32)

    return pl.pallas_call(
        body,
        grid=(GRID,),
        in_specs=[
            pl.BlockSpec((BR, D), lambda i: (i, 0)),
            pl.BlockSpec((D, D), lambda i: (0, 0)),
        ],
        out_specs=pl.BlockSpec((BR, D), lambda i: (i, 0)),
        out_shape=jax.ShapeDtypeStruct((N, D), jnp.float32),
    )(x, W1)


def _tc_scale1(xw, deg):
    def body(xw_r, d_r, y_r):
        dis = _dis_block(d_r)
        y = xw_r[...] * dis
        y_r[0] = y[:, :HALF]
        y_r[1] = y[:, HALF:]

    return pl.pallas_call(
        body,
        grid=(GRID,),
        in_specs=[
            pl.BlockSpec((BR, D), lambda i: (i, 0)),
            _DEG_SPEC,
        ],
        out_specs=pl.BlockSpec((NC, BR, HALF), lambda i: (0, i, 0)),
        out_shape=jax.ShapeDtypeStruct((NC, N, HALF), jnp.float32),
    )(xw, deg)


def _tc_layer2(agg, deg, b1, W2):
    def body(a_r, d_r, b_r, w_r, y_r):
        dis = _dis_block(d_r)
        ag = jnp.concatenate([a_r[0], a_r[1]], axis=1)
        h = jnp.maximum(ag * dis + b_r[...], 0.0)
        y = jnp.dot(h, w_r[...], preferred_element_type=jnp.float32) * dis
        y_r[0] = y[:, :HALF]
        y_r[1] = y[:, HALF:]

    return pl.pallas_call(
        body,
        grid=(GRID,),
        in_specs=[
            pl.BlockSpec((NC, BR, HALF), lambda i: (0, i, 0)),
            _DEG_SPEC,
            pl.BlockSpec((1, D), lambda i: (0, 0)),
            pl.BlockSpec((D, D), lambda i: (0, 0)),
        ],
        out_specs=pl.BlockSpec((NC, BR, HALF), lambda i: (0, i, 0)),
        out_shape=jax.ShapeDtypeStruct((NC, N, HALF), jnp.float32),
    )(agg, deg, b1, W2)


def _tc_final(agg, deg, b2):
    def body(a_r, d_r, b_r, o_r):
        dis = _dis_block(d_r)
        o_r[...] = jnp.concatenate([a_r[0], a_r[1]], axis=1) * dis + b_r[...]

    return pl.pallas_call(
        body,
        grid=(GRID,),
        in_specs=[
            pl.BlockSpec((NC, BR, HALF), lambda i: (0, i, 0)),
            _DEG_SPEC,
            pl.BlockSpec((1, D), lambda i: (0, 0)),
        ],
        out_specs=pl.BlockSpec((BR, D), lambda i: (i, 0)),
        out_shape=jax.ShapeDtypeStruct((N, D), jnp.float32),
    )(agg, deg, b2)


def kernel(x, edge_index, W1, b1, W2, b2):
    ei = edge_index.astype(jnp.int32)
    src = ei[0]
    dst = ei[1]
    pad_per_tile = EPT_PAD - EDGES_PER_TILE
    srcm = jnp.pad(src.reshape(NS, EDGES_PER_TILE),
                   ((0, 0), (0, pad_per_tile))).reshape(-1)
    dstm = jnp.pad(dst.reshape(NS, EDGES_PER_TILE),
                   ((0, 0), (0, pad_per_tile)),
                   constant_values=N_PAD - 1).reshape(-1)
    src2 = jnp.concatenate([srcm, srcm + N])
    dst4 = dst.reshape(NC, NS, DEG_ITERS, DEG_CHUNK)
    ones_h = jnp.ones((DEG_CHUNK, HALF), jnp.float32)
    zeros_h = jnp.zeros((ROWS_PER_TILE, HALF), jnp.float32)

    xw = _tc_matmul1(x, W1)
    deg = _sc_degree(dst4, ones_h, zeros_h)
    y = _tc_scale1(xw, deg)
    agg = _sc_aggregate(src2, dstm, y.reshape(NC * N, HALF), zeros_h)
    y = _tc_layer2(agg, deg, b1.reshape(1, D), W2)
    agg = _sc_aggregate(src2, dstm, y.reshape(NC * N, HALF), zeros_h)
    return _tc_final(agg, deg, b2.reshape(1, D))

# --- scband reference (transcript-rebuilt; emitter-appended) ---
"""Pipeline reference for scband-gcnmodel-85031762526251 (READ-ONLY COPY).

The authoritative reference and input builder live on the scoring server;
editing this copy changes nothing except your own understanding.
"""

import jax, jax.numpy as jnp
import numpy as np

N = 10000
E = 160000
D = 256  # n_actions
H = 256  # hidden_size


def setup_inputs(seed: int = 0) -> dict:
    key = jax.random.key(seed)
    k1, k2, k3, k4, k5, k6 = jax.random.split(key, 6)
    x = jax.random.normal(k1, (N, D), dtype=jnp.float32)
    edge_index = jax.random.randint(k2, (2, E), 0, N)
    W1 = jax.random.normal(k3, (D, H), dtype=jnp.float32) * (1.0 / np.sqrt(D))
    b1 = jnp.zeros((H,), dtype=jnp.float32)
    W2 = jax.random.normal(k4, (H, D), dtype=jnp.float32) * (1.0 / np.sqrt(H))
    b2 = jnp.zeros((D,), dtype=jnp.float32)
    return {"x": x, "edge_index": edge_index, "W1": W1, "b1": b1, "W2": W2, "b2": b2}


def _gcn_conv(x, edge_index, W, b):
    # PyG GCNConv with add_self_loops=False, edge_weight=None:
    #   x' = x @ W ; norm = deg(dst)^-1/2[src] * deg(dst)^-1/2[dst]
    #   out[dst] += norm * x'[src] ; out += bias
    n = x.shape[0]
    src = edge_index[0]
    dst = edge_index[1]
    xw = x @ W
    ones = jnp.ones((edge_index.shape[1],), dtype=xw.dtype)
    deg = jax.ops.segment_sum(ones, dst, num_segments=n)
    deg_inv_sqrt = jnp.where(deg > 0, deg ** -0.5, 0.0)
    norm = deg_inv_sqrt[src] * deg_inv_sqrt[dst]
    msg = jnp.take(xw, src, axis=0) * norm[:, None]
    out = jax.ops.segment_sum(msg, dst, num_segments=n)
    return out + b


def reference(x, edge_index, W1, b1, W2, b2):
    h = _gcn_conv(x, edge_index, W1, b1)
    h = jax.nn.relu(h)
    out = _gcn_conv(h, edge_index, W2, b2)
    return out

if __name__ == "__main__":
    import jax
    _d = setup_inputs()
    print(jax.jit(kernel)(*tuple(_d.values())))

</pallas_src>

<mosaic_0001>
#map = affine_map<(d0, d1) -> (0, 0, 0, 0)>
#map1 = affine_map<(d0, d1) -> (0, 0)>
#map2 = affine_map<(d0, d1) -> (0, 0, 0)>
module attributes {stable_mosaic.version = 14 : i64} {
  func.func @k(%arg0: i32, %arg1: i32, %arg2: memref<2x16x125x40xi32, #tpu.memory_space<hbm>>, %arg3: memref<40x128xf32, #tpu.memory_space<hbm>>, %arg4: memref<640x128xf32, #tpu.memory_space<hbm>>, %arg5: memref<2x10240x128xf32, #tpu.memory_space<hbm>>, %arg6: memref<125x40xi32, #tpu.memory_space<vmem>>, %arg7: memref<40x128xf32, #tpu.memory_space<vmem>>, %arg8: memref<10240x128xf32, #tpu.memory_space<vmem_shared>>, %arg9: memref<!tpu.dma_semaphore, #tpu.memory_space<semaphore_mem>>) attributes {dimension_semantics = [#tpu.dimension_semantics<core_parallel>, #tpu.dimension_semantics<subcore_parallel>], iteration_bounds = array<i64: 2, 16>, scalar_prefetch = 0 : i64, scratch_operands = 4 : i64, tpu.core_type = #tpu.core_type<sc_vector_subcore>, window_params = [{transform_indices = #map}, {transform_indices = #map1}, {transform_indices = #map1}, {transform_indices = #map2}]} {
    %mul3A = arith.constant 640 : i32
    %mul3A_0 = arith.muli %arg1, %mul3A : i32
    "tpu.region"() ({
      %run_scoped3A = tpu.sem_alloc : memref<!tpu.dma_semaphore, #tpu.memory_space<semaphore_mem>>
      %dma_start3A = arith.constant 0 : i32
      %dma_start3A_13 = tpu.memref_slice %arg8[%mul3A_0, %dma_start3A] : memref<10240x128xf32, #tpu.memory_space<vmem_shared>> -> memref<640x128xf32, #tpu.memory_space<vmem_shared>>
      tpu.enqueue_dma source(%arg4 : memref<640x128xf32, #tpu.memory_space<hbm>>) target(%dma_start3A_13 : memref<640x128xf32, #tpu.memory_space<vmem_shared>>) target_semaphore(%run_scoped3A : memref<!tpu.dma_semaphore, #tpu.memory_space<semaphore_mem>>)
      %dma_wait3A = arith.constant 0 : i32
      %dma_wait3A_14 = tpu.memref_slice %arg8[%mul3A_0, %dma_wait3A] : memref<10240x128xf32, #tpu.memory_space<vmem_shared>> -> memref<640x128xf32, #tpu.memory_space<vmem_shared>>
      tpu.wait_dma2 semaphore(%run_scoped3A : memref<!tpu.dma_semaphore, #tpu.memory_space<semaphore_mem>>) src(%arg4 : memref<640x128xf32, #tpu.memory_space<hbm>>) dst(%dma_wait3A_14 : memref<640x128xf32, #tpu.memory_space<vmem_shared>>)
      tpu.yield
    }) : () -> ()
    "tpu.region"() ({
      %run_scoped3A = tpu.sem_alloc : memref<!tpu.dma_semaphore, #tpu.memory_space<semaphore_mem>>
      tpu.enqueue_dma source(%arg3 : memref<40x128xf32, #tpu.memory_space<hbm>>) target(%arg7 : memref<40x128xf32, #tpu.memory_space<vmem>>) target_semaphore(%run_scoped3A : memref<!tpu.dma_semaphore, #tpu.memory_space<semaphore_mem>>)
      tpu.wait_dma2 semaphore(%run_scoped3A : memref<!tpu.dma_semaphore, #tpu.memory_space<semaphore_mem>>) src(%arg3 : memref<40x128xf32, #tpu.memory_space<hbm>>) dst(%arg7 : memref<40x128xf32, #tpu.memory_space<vmem>>)
      tpu.yield
    }) : () -> ()
    "tpu.region"() ({
      %run_scoped3A = tpu.sem_alloc : memref<!tpu.dma_semaphore, #tpu.memory_space<semaphore_mem>>
      %dma_start3A = arith.constant 0 : i32
      %dma_start3A_13 = arith.constant 0 : i32
      %dma_start3A_14 = tpu.memref_slice %arg2[%arg0, %arg1, %dma_start3A, %dma_start3A_13] : memref<2x16x125x40xi32, #tpu.memory_space<hbm>> -> memref<1x1x125x40xi32, #tpu.memory_space<hbm>>
      %dma_start3A_15 = tpu.memref_squeeze %dma_start3A_14 : memref<1x1x125x40xi32, #tpu.memory_space<hbm>> -> memref<125x40xi32, #tpu.memory_space<hbm>>
      %dma_start3A_16 = arith.constant 0 : i32
      %dma_start3A_17 = arith.constant 0 : i32
      %dma_start3A_18 = tpu.memref_slice %arg2[%arg0, %arg1, %dma_start3A_16, %dma_start3A_17] : memref<2x16x125x40xi32, #tpu.memory_space<hbm>> -> memref<1x1x125x40xi32, #tpu.memory_space<hbm>>
      %dma_start3A_19 = tpu.memref_squeeze %dma_start3A_18 : memref<1x1x125x40xi32, #tpu.memory_space<hbm>> -> memref<125x40xi32, #tpu.memory_space<hbm>>
      tpu.enqueue_dma source(%dma_start3A_19 : memref<125x40xi32, #tpu.memory_space<hbm>>) target(%arg6 : memref<125x40xi32, #tpu.memory_space<vmem>>) target_semaphore(%run_scoped3A : memref<!tpu.dma_semaphore, #tpu.memory_space<semaphore_mem>>)
      %dma_wait3A = arith.constant 0 : i32
      %dma_wait3A_20 = arith.constant 0 : i32
      %dma_wait3A_21 = tpu.memref_slice %arg2[%arg0, %arg1, %dma_wait3A, %dma_wait3A_20] : memref<2x16x125x40xi32, #tpu.memory_space<hbm>> -> memref<1x1x125x40xi32, #tpu.memory_space<hbm>>
      %dma_wait3A_22 = tpu.memref_squeeze %dma_wait3A_21 : memref<1x1x125x40xi32, #tpu.memory_space<hbm>> -> memref<125x40xi32, #tpu.memory_space<hbm>>
      %dma_wait3A_23 = arith.constant 0 : i32
      %dma_wait3A_24 = arith.constant 0 : i32
      %dma_wait3A_25 = tpu.memref_slice %arg2[%arg0, %arg1, %dma_wait3A_23, %dma_wait3A_24] : memref<2x16x125x40xi32, #tpu.memory_space<hbm>> -> memref<1x1x125x40xi32, #tpu.memory_space<hbm>>
      %dma_wait3A_26 = tpu.memref_squeeze %dma_wait3A_25 : memref<1x1x125x40xi32, #tpu.memory_space<hbm>> -> memref<125x40xi32, #tpu.memory_space<hbm>>
      tpu.wait_dma2 semaphore(%run_scoped3A : memref<!tpu.dma_semaphore, #tpu.memory_space<semaphore_mem>>) src(%dma_wait3A_26 : memref<125x40xi32, #tpu.memory_space<hbm>>) dst(%arg6 : memref<125x40xi32, #tpu.memory_space<vmem>>)
      tpu.yield
    }) : () -> ()
    %barrier3A = arith.constant 0 : index
    tpu.barrier barrier_id(%barrier3A)
    %scan3A = arith.constant 0 : i32
    %scan3A_1 = arith.constant 0 : i32
    %scan3A_2 = arith.constant 125 : i32
    %scan3A_3 = arith.addi %scan3A_1, %scan3A_2 : i32
    %scan3A_4 = arith.constant 1 : i32
    scf.for %scan3A_13 = %scan3A_1 to %scan3A_3 step %scan3A_4  : i32 {
      %dma_start3A = arith.constant 0 : i32
      %dma_start3A_14 = tpu.memref_slice %arg6[%scan3A_13, %dma_start3A] : memref<125x40xi32, #tpu.memory_space<vmem>> -> memref<1x40xi32, #tpu.memory_space<vmem>>
      %dma_start3A_15 = tpu.memref_squeeze %dma_start3A_14 : memref<1x40xi32, #tpu.memory_space<vmem>> -> memref<40xi32, #tpu.memory_space<vmem>>
      %dma_start3A_16 = arith.constant 0 : i32
      %dma_start3A_17 = arith.constant 0 : i32
      %dma_start3A_18 = tpu.memref_slice %arg8[%dma_start3A_16, %dma_start3A_17] : memref<10240x128xf32, #tpu.memory_space<vmem_shared>> -> memref<10240x128xf32, #tpu.memory_space<vmem_shared>>
      tpu.enqueue_indirect_dma source(%arg7 : memref<40x128xf32, #tpu.memory_space<vmem>>) target(%dma_start3A_18 : memref<10240x128xf32, #tpu.memory_space<vmem_shared>>) offsets(%dma_start3A_15 : memref<40xi32, #tpu.memory_space<vmem>>) semaphore(%arg9 : memref<!tpu.dma_semaphore, #tpu.memory_space<semaphore_mem>>) {add = true}
    }
    %scan3A_5 = arith.constant 125 : i32
    %scan3A_6 = arith.constant 0 : i32
    %scan3A_7 = arith.constant 0 : i32
    %scan3A_8 = arith.constant 125 : i32
    %scan3A_9 = arith.addi %scan3A_7, %scan3A_8 : i32
    %scan3A_10 = arith.constant 1 : i32
    scf.for %scan3A_13 = %scan3A_7 to %scan3A_9 step %scan3A_10  : i32 {
      tpu.wait_dma2 semaphore(%arg9 : memref<!tpu.dma_semaphore, #tpu.memory_space<semaphore_mem>>) src(%arg3 : memref<40x128xf32, #tpu.memory_space<hbm>>) dst(%arg7 : memref<40x128xf32, #tpu.memory_space<vmem>>)
    }
    %scan3A_11 = arith.constant 125 : i32
    %barrier3A_12 = arith.constant 0 : index
    tpu.barrier barrier_id(%barrier3A_12)
    "tpu.region"() ({
      %run_scoped3A = tpu.sem_alloc : memref<!tpu.dma_semaphore, #tpu.memory_space<semaphore_mem>>
      %dma_start3A = arith.constant 0 : i32
      %dma_start3A_13 = tpu.memref_slice %arg5[%arg0, %mul3A_0, %dma_start3A] : memref<2x10240x128xf32, #tpu.memory_space<hbm>> -> memref<1x640x128xf32, #tpu.memory_space<hbm>>
      %dma_start3A_14 = tpu.memref_squeeze %dma_start3A_13 : memref<1x640x128xf32, #tpu.memory_space<hbm>> -> memref<640x128xf32, #tpu.memory_space<hbm>>
      %dma_start3A_15 = arith.constant 0 : i32
      %dma_start3A_16 = tpu.memref_slice %arg8[%mul3A_0, %dma_start3A_15] : memref<10240x128xf32, #tpu.memory_space<vmem_shared>> -> memref<640x128xf32, #tpu.memory_space<vmem_shared>>
      tpu.enqueue_dma source(%dma_start3A_16 : memref<640x128xf32, #tpu.memory_space<vmem_shared>>) target(%dma_start3A_14 : memref<640x128xf32, #tpu.memory_space<hbm>>) target_semaphore(%run_scoped3A : memref<!tpu.dma_semaphore, #tpu.memory_space<semaphore_mem>>)
      %dma_wait3A = arith.constant 0 : i32
      %dma_wait3A_17 = tpu.memref_slice %arg5[%arg0, %mul3A_0, %dma_wait3A] : memref<2x10240x128xf32, #tpu.memory_space<hbm>> -> memref<1x640x128xf32, #tpu.memory_space<hbm>>
      %dma_wait3A_18 = tpu.memref_squeeze %dma_wait3A_17 : memref<1x640x128xf32, #tpu.memory_space<hbm>> -> memref<640x128xf32, #tpu.memory_space<hbm>>
      %dma_wait3A_19 = arith.constant 0 : i32
      %dma_wait3A_20 = tpu.memref_slice %arg8[%mul3A_0, %dma_wait3A_19] : memref<10240x128xf32, #tpu.memory_space<vmem_shared>> -> memref<640x128xf32, #tpu.memory_space<vmem_shared>>
      tpu.wait_dma2 semaphore(%run_scoped3A : memref<!tpu.dma_semaphore, #tpu.memory_space<semaphore_mem>>) src(%dma_wait3A_20 : memref<640x128xf32, #tpu.memory_space<vmem_shared>>) dst(%dma_wait3A_18 : memref<640x128xf32, #tpu.memory_space<hbm>>)
      tpu.yield
    }) : () -> ()
    return
  }
}

#map = affine_map<(d0, d1) -> (0)>
#map1 = affine_map<(d0, d1) -> (0, 0)>
#map2 = affine_map<(d0, d1) -> (0, 0, 0)>
module attributes {stable_mosaic.version = 14 : i64} {
  func.func @k(%arg0: i32, %arg1: i32, %arg2: memref<322560xi32, #tpu.memory_space<hbm>>, %arg3: memref<161280xi32, #tpu.memory_space<hbm>>, %arg4: memref<20000x128xf32, #tpu.memory_space<hbm>>, %arg5: memref<640x128xf32, #tpu.memory_space<hbm>>, %arg6: memref<2x10240x128xf32, #tpu.memory_space<hbm>>, %arg7: memref<10080xi32, #tpu.memory_space<vmem>>, %arg8: memref<10080xi32, #tpu.memory_space<vmem>>, %arg9: memref<56x128xf32, #tpu.memory_space<vmem>>, %arg10: memref<56x128xf32, #tpu.memory_space<vmem>>, %arg11: memref<56x128xf32, #tpu.memory_space<vmem>>, %arg12: memref<56x128xf32, #tpu.memory_space<vmem>>, %arg13: memref<10240x128xf32, #tpu.memory_space<vmem_shared>>, %arg14: memref<!tpu.dma_semaphore, #tpu.memory_space<semaphore_mem>>, %arg15: memref<!tpu.dma_semaphore, #tpu.memory_space<semaphore_mem>>, %arg16: memref<!tpu.dma_semaphore, #tpu.memory_space<semaphore_mem>>, %arg17: memref<!tpu.dma_semaphore, #tpu.memory_space<semaphore_mem>>) attributes {dimension_semantics = [#tpu.dimension_semantics<core_parallel>, #tpu.dimension_semantics<subcore_parallel>], iteration_bounds = array<i64: 2, 16>, scalar_prefetch = 0 : i64, scratch_operands = 11 : i64, tpu.core_type = #tpu.core_type<sc_vector_subcore>, window_params = [{transform_indices = #map}, {transform_indices = #map}, {transform_indices = #map1}, {transform_indices = #map1}, {transform_indices = #map2}]} {
    %mul3A = arith.constant 640 : i32
    %mul3A_0 = arith.muli %arg1, %mul3A : i32
    %mul3A_1 = arith.constant 16 : i32
    %mul3A_2 = arith.muli %arg0, %mul3A_1 : i32
    %add3A = arith.addi %mul3A_2, %arg1 : i32
    %mul3A_3 = arith.constant 10080 : i32
    %mul3A_4 = arith.muli %add3A, %mul3A_3 : i32
    "tpu.region"() ({
      %run_scoped3A = tpu.sem_alloc : memref<!tpu.dma_semaphore, #tpu.memory_space<semaphore_mem>>
      %dma_start3A_51 = tpu.memref_slice %arg2[%mul3A_4] : memref<322560xi32, #tpu.memory_space<hbm>> -> memref<10080xi32, #tpu.memory_space<hbm>>
      %dma_start3A_52 = tpu.memref_slice %arg2[%mul3A_4] : memref<322560xi32, #tpu.memory_space<hbm>> -> memref<10080xi32, #tpu.memory_space<hbm>>
      tpu.enqueue_dma source(%dma_start3A_52 : memref<10080xi32, #tpu.memory_space<hbm>>) target(%arg7 : memref<10080xi32, #tpu.memory_space<vmem>>) target_semaphore(%run_scoped3A : memref<!tpu.dma_semaphore, #tpu.memory_space<semaphore_mem>>)
      %dma_wait3A_53 = tpu.memref_slice %arg2[%mul3A_4] : memref<322560xi32, #tpu.memory_space<hbm>> -> memref<10080xi32, #tpu.memory_space<hbm>>
      %dma_wait3A_54 = tpu.memref_slice %arg2[%mul3A_4] : memref<322560xi32, #tpu.memory_space<hbm>> -> memref<10080xi32, #tpu.memory_space<hbm>>
      tpu.wait_dma2 semaphore(%run_scoped3A : memref<!tpu.dma_semaphore, #tpu.memory_space<semaphore_mem>>) src(%dma_wait3A_54 : memref<10080xi32, #tpu.memory_space<hbm>>) dst(%arg7 : memref<10080xi32, #tpu.memory_space<vmem>>)
      tpu.yield
    }) : () -> ()
    %mul3A_5 = arith.constant 10080 : i32
    %mul3A_6 = arith.muli %arg1, %mul3A_5 : i32
    "tpu.region"() ({
      %run_scoped3A = tpu.sem_alloc : memref<!tpu.dma_semaphore, #tpu.memory_space<semaphore_mem>>
      %dma_start3A_51 = tpu.memref_slice %arg3[%mul3A_6] : memref<161280xi32, #tpu.memory_space<hbm>> -> memref<10080xi32, #tpu.memory_space<hbm>>
      %dma_start3A_52 = tpu.memref_slice %arg3[%mul3A_6] : memref<161280xi32, #tpu.memory_space<hbm>> -> memref<10080xi32, #tpu.memory_space<hbm>>
      tpu.enqueue_dma source(%dma_start3A_52 : memref<10080xi32, #tpu.memory_space<hbm>>) target(%arg8 : memref<10080xi32, #tpu.memory_space<vmem>>) target_semaphore(%run_scoped3A : memref<!tpu.dma_semaphore, #tpu.memory_space<semaphore_mem>>)
      %dma_wait3A_53 = tpu.memref_slice %arg3[%mul3A_6] : memref<161280xi32, #tpu.memory_space<hbm>> -> memref<10080xi32, #tpu.memory_space<hbm>>
      %dma_wait3A_54 = tpu.memref_slice %arg3[%mul3A_6] : memref<161280xi32, #tpu.memory_space<hbm>> -> memref<10080xi32, #tpu.memory_space<hbm>>
      tpu.wait_dma2 semaphore(%run_scoped3A : memref<!tpu.dma_semaphore, #tpu.memory_space<semaphore_mem>>) src(%dma_wait3A_54 : memref<10080xi32, #tpu.memory_space<hbm>>) dst(%arg8 : memref<10080xi32, #tpu.memory_space<vmem>>)
      tpu.yield
    }) : () -> ()
    "tpu.region"() ({
      %run_scoped3A = tpu.sem_alloc : memref<!tpu.dma_semaphore, #tpu.memory_space<semaphore_mem>>
      %dma_start3A_51 = arith.constant 0 : i32
      %dma_start3A_52 = tpu.memref_slice %arg13[%mul3A_0, %dma_start3A_51] : memref<10240x128xf32, #tpu.memory_space<vmem_shared>> -> memref<640x128xf32, #tpu.memory_space<vmem_shared>>
      tpu.enqueue_dma source(%arg5 : memref<640x128xf32, #tpu.memory_space<hbm>>) target(%dma_start3A_52 : memref<640x128xf32, #tpu.memory_space<vmem_shared>>) target_semaphore(%run_scoped3A : memref<!tpu.dma_semaphore, #tpu.memory_space<semaphore_mem>>)
      %dma_wait3A_53 = arith.constant 0 : i32
      %dma_wait3A_54 = tpu.memref_slice %arg13[%mul3A_0, %dma_wait3A_53] : memref<10240x128xf32, #tpu.memory_space<vmem_shared>> -> memref<640x128xf32, #tpu.memory_space<vmem_shared>>
      tpu.wait_dma2 semaphore(%run_scoped3A : memref<!tpu.dma_semaphore, #tpu.memory_space<semaphore_mem>>) src(%arg5 : memref<640x128xf32, #tpu.memory_space<hbm>>) dst(%dma_wait3A_54 : memref<640x128xf32, #tpu.memory_space<vmem_shared>>)
      tpu.yield
    }) : () -> ()
    %dma_start3A = arith.constant 0 : i32
    %dma_start3A_7 = tpu.memref_slice %arg7[%dma_start3A] : memref<10080xi32, #tpu.memory_space<vmem>> -> memref<56xi32, #tpu.memory_space<vmem>>
    %dma_start3A_8 = arith.constant 0 : i32
    %dma_start3A_9 = arith.constant 0 : i32
    %dma_start3A_10 = tpu.memref_slice %arg4[%dma_start3A_8, %dma_start3A_9] : memref<20000x128xf32, #tpu.memory_space<hbm>> -> memref<20000x128xf32, #tpu.memory_space<hbm>>
    tpu.enqueue_indirect_dma source(%dma_start3A_10 : memref<20000x128xf32, #tpu.memory_space<hbm>>) target(%arg9 : memref<56x128xf32, #tpu.memory_space<vmem>>) offsets(%dma_start3A_7 : memref<56xi32, #tpu.memory_space<vmem>>) semaphore(%arg14 : memref<!tpu.dma_semaphore, #tpu.memory_space<semaphore_mem>>)
    %dma_start3A_11 = arith.constant 56 : i32
    %dma_start3A_12 = tpu.memref_slice %arg7[%dma_start3A_11] : memref<10080xi32, #tpu.memory_space<vmem>> -> memref<56xi32, #tpu.memory_space<vmem>>
    %dma_start3A_13 = arith.constant 0 : i32
    %dma_start3A_14 = arith.constant 0 : i32
    %dma_start3A_15 = tpu.memref_slice %arg4[%dma_start3A_13, %dma_start3A_14] : memref<20000x128xf32, #tpu.memory_space<hbm>> -> memref<20000x128xf32, #tpu.memory_space<hbm>>
    tpu.enqueue_indirect_dma source(%dma_start3A_15 : memref<20000x128xf32, #tpu.memory_space<hbm>>) target(%arg10 : memref<56x128xf32, #tpu.memory_space<vmem>>) offsets(%dma_start3A_12 : memref<56xi32, #tpu.memory_space<vmem>>) semaphore(%arg15 : memref<!tpu.dma_semaphore, #tpu.memory_space<semaphore_mem>>)
    %dma_start3A_16 = arith.constant 112 : i32
    %dma_start3A_17 = tpu.memref_slice %arg7[%dma_start3A_16] : memref<10080xi32, #tpu.memory_space<vmem>> -> memref<56xi32, #tpu.memory_space<vmem>>
    %dma_start3A_18 = arith.constant 0 : i32
    %dma_start3A_19 = arith.constant 0 : i32
    %dma_start3A_20 = tpu.memref_slice %arg4[%dma_start3A_18, %dma_start3A_19] : memref<20000x128xf32, #tpu.memory_space<hbm>> -> memref<20000x128xf32, #tpu.memory_space<hbm>>
    tpu.enqueue_indirect_dma source(%dma_start3A_20 : memref<20000x128xf32, #tpu.memory_space<hbm>>) target(%arg11 : memref<56x128xf32, #tpu.memory_space<vmem>>) offsets(%dma_start3A_17 : memref<56xi32, #tpu.memory_space<vmem>>) semaphore(%arg16 : memref<!tpu.dma_semaphore, #tpu.memory_space<semaphore_mem>>)
    %barrier3A = arith.constant 0 : index
    tpu.barrier barrier_id(%barrier3A)
    %scan3A = arith.constant 0 : i32
    %scan3A_21 = arith.constant 0 : i32
    %scan3A_22 = arith.constant 44 : i32
    %scan3A_23 = arith.addi %scan3A_21, %scan3A_22 : i32
    %scan3A_24 = arith.constant 1 : i32
    scf.for %scan3A_51 = %scan3A_21 to %scan3A_23 step %scan3A_24  : i32 {
      %mul3A_52 = arith.constant 4 : i32
      %mul3A_53 = arith.muli %mul3A_52, %scan3A_51 : i32
      %dma_wait3A_54 = arith.constant 0 : i32
      %dma_wait3A_55 = tpu.memref_slice %arg7[%dma_wait3A_54] : memref<10080xi32, #tpu.memory_space<vmem>> -> memref<56xi32, #tpu.memory_space<vmem>>
      %dma_wait3A_56 = arith.constant 0 : i32
      %dma_wait3A_57 = arith.constant 0 : i32
      %dma_wait3A_58 = tpu.memref_slice %arg4[%dma_wait3A_56, %dma_wait3A_57] : memref<20000x128xf32, #tpu.memory_space<hbm>> -> memref<20000x128xf32, #tpu.memory_space<hbm>>
      tpu.wait_indirect_dma semaphore(%arg14 : memref<!tpu.dma_semaphore, #tpu.memory_space<semaphore_mem>>) src(%dma_wait3A_58 : memref<20000x128xf32, #tpu.memory_space<hbm>>) dst(%arg9 : memref<56x128xf32, #tpu.memory_space<vmem>>)
      %add3A_59 = arith.constant 3 : i32
      %add3A_60 = arith.addi %mul3A_53, %add3A_59 : i32
      %mul3A_61 = arith.constant 56 : i32
      %mul3A_62 = arith.muli %add3A_60, %mul3A_61 : i32
      %dma_start3A_63 = tpu.memref_slice %arg7[%mul3A_62] : memref<10080xi32, #tpu.memory_space<vmem>> -> memref<56xi32, #tpu.memory_space<vmem>>
      %dma_start3A_64 = arith.constant 0 : i32
      %dma_start3A_65 = arith.constant 0 : i32
      %dma_start3A_66 = tpu.memref_slice %arg4[%dma_start3A_64, %dma_start3A_65] : memref<20000x128xf32, #tpu.memory_space<hbm>> -> memref<20000x128xf32, #tpu.memory_space<hbm>>
      tpu.enqueue_indirect_dma source(%dma_start3A_66 : memref<20000x128xf32, #tpu.memory_space<hbm>>) target(%arg12 : memref<56x128xf32, #tpu.memory_space<vmem>>) offsets(%dma_start3A_63 : memref<56xi32, #tpu.memory_space<vmem>>) semaphore(%arg17 : memref<!tpu.dma_semaphore, #tpu.memory_space<semaphore_mem>>)
      %mul3A_67 = arith.constant 56 : i32
      %mul3A_68 = arith.muli %mul3A_53, %mul3A_67 : i32
      "tpu.region"() ({
        %run_scoped3A = tpu.sem_alloc : memref<!tpu.dma_semaphore, #tpu.memory_space<semaphore_mem>>
        %dma_start3A_120 = tpu.memref_slice %arg8[%mul3A_68] : memref<10080xi32, #tpu.memory_space<vmem>> -> memref<56xi32, #tpu.memory_space<vmem>>
        %dma_start3A_121 = arith.constant 0 : i32
        %dma_start3A_122 = arith.constant 0 : i32
        %dma_start3A_123 = tpu.memref_slice %arg13[%dma_start3A_121, %dma_start3A_122] : memref<10240x128xf32, #tpu.memory_space<vmem_shared>> -> memref<10240x128xf32, #tpu.memory_space<vmem_shared>>
        tpu.enqueue_indirect_dma source(%arg9 : memref<56x128xf32, #tpu.memory_space<vmem>>) target(%dma_start3A_123 : memref<10240x128xf32, #tpu.memory_space<vmem_shared>>) offsets(%dma_start3A_120 : memref<56xi32, #tpu.memory_space<vmem>>) semaphore(%run_scoped3A : memref<!tpu.dma_semaphore, #tpu.memory_space<semaphore_mem>>) {add = true}
        %dma_wait3A_124 = tpu.memref_slice %arg8[%mul3A_68] : memref<10080xi32, #tpu.memory_space<vmem>> -> memref<56xi32, #tpu.memory_space<vmem>>
        %dma_wait3A_125 = arith.constant 0 : i32
        %dma_wait3A_126 = arith.constant 0 : i32
        %dma_wait3A_127 = tpu.memref_slice %arg13[%dma_wait3A_125, %dma_wait3A_126] : memref<10240x128xf32, #tpu.memory_space<vmem_shared>> -> memref<10240x128xf32, #tpu.memory_space<vmem_shared>>
        tpu.wait_indirect_dma semaphore(%run_scoped3A : memref<!tpu.dma_semaphore, #tpu.memory_space<semaphore_mem>>) src(%arg9 : memref<56x128xf32, #tpu.memory_space<vmem>>) dst(%dma_wait3A_127 : memref<10240x128xf32, #tpu.memory_space<vmem_shared>>)
        tpu.yield
      }) : () -> ()
      %dma_wait3A_69 = arith.constant 0 : i32
      %dma_wait3A_70 = tpu.memref_slice %arg7[%dma_wait3A_69] : memref<10080xi32, #tpu.memory_space<vmem>> -> memref<56xi32, #tpu.memory_space<vmem>>
      %dma_wait3A_71 = arith.constant 0 : i32
      %dma_wait3A_72 = arith.constant 0 : i32
      %dma_wait3A_73 = tpu.memref_slice %arg4[%dma_wait3A_71, %dma_wait3A_72] : memref<20000x128xf32, #tpu.memory_space<hbm>> -> memref<20000x128xf32, #tpu.memory_space<hbm>>
      tpu.wait_indirect_dma semaphore(%arg15 : memref<!tpu.dma_semaphore, #tpu.memory_space<semaphore_mem>>) src(%dma_wait3A_73 : memref<20000x128xf32, #tpu.memory_space<hbm>>) dst(%arg10 : memref<56x128xf32, #tpu.memory_space<vmem>>)
      %add3A_74 = arith.constant 4 : i32
      %add3A_75 = arith.addi %mul3A_53, %add3A_74 : i32
      %mul3A_76 = arith.constant 56 : i32
      %mul3A_77 = arith.muli %add3A_75, %mul3A_76 : i32
      %dma_start3A_78 = tpu.memref_slice %arg7[%mul3A_77] : memref<10080xi32, #tpu.memory_space<vmem>> -> memref<56xi32, #tpu.memory_space<vmem>>
      %dma_start3A_79 = arith.constant 0 : i32
      %dma_start3A_80 = arith.constant 0 : i32
      %dma_start3A_81 = tpu.memref_slice %arg4[%dma_start3A_79, %dma_start3A_80] : memref<20000x128xf32, #tpu.memory_space<hbm>> -> memref<20000x128xf32, #tpu.memory_space<hbm>>
      tpu.enqueue_indirect_dma source(%dma_start3A_81 : memref<20000x128xf32, #tpu.memory_space<hbm>>) target(%arg9 : memref<56x128xf32, #tpu.memory_space<vmem>>) offsets(%dma_start3A_78 : memref<56xi32, #tpu.memory_space<vmem>>) semaphore(%arg14 : memref<!tpu.dma_semaphore, #tpu.memory_space<semaphore_mem>>)
      %add3A_82 = arith.constant 1 : i32
      %add3A_83 = arith.addi %mul3A_53, %add3A_82 : i32
      %mul3A_84 = arith.constant 56 : i32
      %mul3A_85 = arith.muli %add3A_83, %mul3A_84 : i32
      "tpu.region"() ({
        %run_scoped3A = tpu.sem_alloc : memref<!tpu.dma_semaphore, #tpu.memory_space<semaphore_mem>>
        %dma_start3A_120 = tpu.memref_slice %arg8[%mul3A_85] : memref<10080xi32, #tpu.memory_space<vmem>> -> memref<56xi32, #tpu.memory_space<vmem>>
        %dma_start3A_121 = arith.constant 0 : i32
        %dma_start3A_122 = arith.constant 0 : i32
        %dma_start3A_123 = tpu.memref_slice %arg13[%dma_start3A_121, %dma_start3A_122] : memref<10240x128xf32, #tpu.memory_space<vmem_shared>> -> memref<10240x128xf32, #tpu.memory_space<vmem_shared>>
        tpu.enqueue_indirect_dma source(%arg10 : memref<56x128xf32, #tpu.memory_space<vmem>>) target(%dma_start3A_123 : memref<10240x128xf32, #tpu.memory_space<vmem_shared>>) offsets(%dma_start3A_120 : memref<56xi32, #tpu.memory_space<vmem>>) semaphore(%run_scoped3A : memref<!tpu.dma_semaphore, #tpu.memory_space<semaphore_mem>>) {add = true}
        %dma_wait3A_124 = tpu.memref_slice %arg8[%mul3A_85] : memref<10080xi32, #tpu.memory_space<vmem>> -> memref<56xi32, #tpu.memory_space<vmem>>
        %dma_wait3A_125 = arith.constant 0 : i32
        %dma_wait3A_126 = arith.constant 0 : i32
        %dma_wait3A_127 = tpu.memref_slice %arg13[%dma_wait3A_125, %dma_wait3A_126] : memref<10240x128xf32, #tpu.memory_space<vmem_shared>> -> memref<10240x128xf32, #tpu.memory_space<vmem_shared>>
        tpu.wait_indirect_dma semaphore(%run_scoped3A : memref<!tpu.dma_semaphore, #tpu.memory_space<semaphore_mem>>) src(%arg10 : memref<56x128xf32, #tpu.memory_space<vmem>>) dst(%dma_wait3A_127 : memref<10240x128xf32, #tpu.memory_space<vmem_shared>>)
        tpu.yield
      }) : () -> ()
      %dma_wait3A_86 = arith.constant 0 : i32
      %dma_wait3A_87 = tpu.memref_slice %arg7[%dma_wait3A_86] : memref<10080xi32, #tpu.memory_space<vmem>> -> memref<56xi32, #tpu.memory_space<vmem>>
      %dma_wait3A_88 = arith.constant 0 : i32
      %dma_wait3A_89 = arith.constant 0 : i32
      %dma_wait3A_90 = tpu.memref_slice %arg4[%dma_wait3A_88, %dma_wait3A_89] : memref<20000x128xf32, #tpu.memory_space<hbm>> -> memref<20000x128xf32, #tpu.memory_space<hbm>>
      tpu.wait_indirect_dma semaphore(%arg16 : memref<!tpu.dma_semaphore, #tpu.memory_space<semaphore_mem>>) src(%dma_wait3A_90 : memref<20000x128xf32, #tpu.memory_space<hbm>>) dst(%arg11 : memref<56x128xf32, #tpu.memory_space<vmem>>)
      %add3A_91 = arith.constant 5 : i32
      %add3A_92 = arith.addi %mul3A_53, %add3A_91 : i32
      %mul3A_93 = arith.constant 56 : i32
      %mul3A_94 = arith.muli %add3A_92, %mul3A_93 : i32
      %dma_start3A_95 = tpu.memref_slice %arg7[%mul3A_94] : memref<10080xi32, #tpu.memory_space<vmem>> -> memref<56xi32, #tpu.memory_space<vmem>>
      %dma_start3A_96 = arith.constant 0 : i32
      %dma_start3A_97 = arith.constant 0 : i32
      %dma_start3A_98 = tpu.memref_slice %arg4[%dma_start3A_96, %dma_start3A_97] : memref<20000x128xf32, #tpu.memory_space<hbm>> -> memref<20000x128xf32, #tpu.memory_space<hbm>>
      tpu.enqueue_indirect_dma source(%dma_start3A_98 : memref<20000x128xf32, #tpu.memory_space<hbm>>) target(%arg10 : memref<56x128xf32, #tpu.memory_space<vmem>>) offsets(%dma_start3A_95 : memref<56xi32, #tpu.memory_space<vmem>>) semaphore(%arg15 : memref<!tpu.dma_semaphore, #tpu.memory_space<semaphore_mem>>)
      %add3A_99 = arith.constant 2 : i32
      %add3A_100 = arith.addi %mul3A_53, %add3A_99 : i32
      %mul3A_101 = arith.constant 56 : i32
      %mul3A_102 = arith.muli %add3A_100, %mul3A_101 : i32
      "tpu.region"() ({
        %run_scoped3A = tpu.sem_alloc : memref<!tpu.dma_semaphore, #tpu.memory_space<semaphore_mem>>
        %dma_start3A_120 = tpu.memref_slice %arg8[%mul3A_102] : memref<10080xi32, #tpu.memory_space<vmem>> -> memref<56xi32, #tpu.memory_space<vmem>>
        %dma_start3A_121 = arith.constant 0 : i32
        %dma_start3A_122 = arith.constant 0 : i32
        %dma_start3A_123 = tpu.memref_slice %arg13[%dma_start3A_121, %dma_start3A_122] : memref<10240x128xf32, #tpu.memory_space<vmem_shared>> -> memref<10240x128xf32, #tpu.memory_space<vmem_shared>>
        tpu.enqueue_indirect_dma source(%arg11 : memref<56x128xf32, #tpu.memory_space<vmem>>) target(%dma_start3A_123 : memref<10240x128xf32, #tpu.memory_space<vmem_shared>>) offsets(%dma_start3A_120 : memref<56xi32, #tpu.memory_space<vmem>>) semaphore(%run_scoped3A : memref<!tpu.dma_semaphore, #tpu.memory_space<semaphore_mem>>) {add = true}
        %dma_wait3A_124 = tpu.memref_slice %arg8[%mul3A_102] : memref<10080xi32, #tpu.memory_space<vmem>> -> memref<56xi32, #tpu.memory_space<vmem>>
        %dma_wait3A_125 = arith.constant 0 : i32
        %dma_wait3A_126 = arith.constant 0 : i32
        %dma_wait3A_127 = tpu.memref_slice %arg13[%dma_wait3A_125, %dma_wait3A_126] : memref<10240x128xf32, #tpu.memory_space<vmem_shared>> -> memref<10240x128xf32, #tpu.memory_space<vmem_shared>>
        tpu.wait_indirect_dma semaphore(%run_scoped3A : memref<!tpu.dma_semaphore, #tpu.memory_space<semaphore_mem>>) src(%arg11 : memref<56x128xf32, #tpu.memory_space<vmem>>) dst(%dma_wait3A_127 : memref<10240x128xf32, #tpu.memory_space<vmem_shared>>)
        tpu.yield
      }) : () -> ()
      %dma_wait3A_103 = arith.constant 0 : i32
      %dma_wait3A_104 = tpu.memref_slice %arg7[%dma_wait3A_103] : memref<10080xi32, #tpu.memory_space<vmem>> -> memref<56xi32, #tpu.memory_space<vmem>>
      %dma_wait3A_105 = arith.constant 0 : i32
      %dma_wait3A_106 = arith.constant 0 : i32
      %dma_wait3A_107 = tpu.memref_slice %arg4[%dma_wait3A_105, %dma_wait3A_106] : memref<20000x128xf32, #tpu.memory_space<hbm>> -> memref<20000x128xf32, #tpu.memory_space<hbm>>
      tpu.wait_indirect_dma semaphore(%arg17 : memref<!tpu.dma_semaphore, #tpu.memory_space<semaphore_mem>>) src(%dma_wait3A_107 : memref<20000x128xf32, #tpu.memory_space<hbm>>) dst(%arg12 : memref<56x128xf32, #tpu.memory_space<vmem>>)
      %add3A_108 = arith.constant 6 : i32
      %add3A_109 = arith.addi %mul3A_53, %add3A_108 : i32
      %mul3A_110 = arith.constant 56 : i32
      %mul3A_111 = arith.muli %add3A_109, %mul3A_110 : i32
      %dma_start3A_112 = tpu.memref_slice %arg7[%mul3A_111] : memref<10080xi32, #tpu.memory_space<vmem>> -> memref<56xi32, #tpu.memory_space<vmem>>
      %dma_start3A_113 = arith.constant 0 : i32
      %dma_start3A_114 = arith.constant 0 : i32
      %dma_start3A_115 = tpu.memref_slice %arg4[%dma_start3A_113, %dma_start3A_114] : memref<20000x128xf32, #tpu.memory_space<hbm>> -> memref<20000x128xf32, #tpu.memory_space<hbm>>
      tpu.enqueue_indirect_dma source(%dma_start3A_115 : memref<20000x128xf32, #tpu.memory_space<hbm>>) target(%arg11 : memref<56x128xf32, #tpu.memory_space<vmem>>) offsets(%dma_start3A_112 : memref<56xi32, #tpu.memory_space<vmem>>) semaphore(%arg16 : memref<!tpu.dma_semaphore, #tpu.memory_space<semaphore_mem>>)
      %add3A_116 = arith.constant 3 : i32
      %add3A_117 = arith.addi %mul3A_53, %add3A_116 : i32
      %mul3A_118 = arith.constant 56 : i32
      %mul3A_119 = arith.muli %add3A_117, %mul3A_118 : i32
      "tpu.region"() ({
        %run_scoped3A = tpu.sem_alloc : memref<!tpu.dma_semaphore, #tpu.memory_space<semaphore_mem>>
        %dma_start3A_120 = tpu.memref_slice %arg8[%mul3A_119] : memref<10080xi32, #tpu.memory_space<vmem>> -> memref<56xi32, #tpu.memory_space<vmem>>
        %dma_start3A_121 = arith.constant 0 : i32
        %dma_start3A_122 = arith.constant 0 : i32
        %dma_start3A_123 = tpu.memref_slice %arg13[%dma_start3A_121, %dma_start3A_122] : memref<10240x128xf32, #tpu.memory_space<vmem_shared>> -> memref<10240x128xf32, #tpu.memory_space<vmem_shared>>
        tpu.enqueue_indirect_dma source(%arg12 : memref<56x128xf32, #tpu.memory_space<vmem>>) target(%dma_start3A_123 : memref<10240x128xf32, #tpu.memory_space<vmem_shared>>) offsets(%dma_start3A_120 : memref<56xi32, #tpu.memory_space<vmem>>) semaphore(%run_scoped3A : memref<!tpu.dma_semaphore, #tpu.memory_space<semaphore_mem>>) {add = true}
        %dma_wait3A_124 = tpu.memref_slice %arg8[%mul3A_119] : memref<10080xi32, #tpu.memory_space<vmem>> -> memref<56xi32, #tpu.memory_space<vmem>>
        %dma_wait3A_125 = arith.constant 0 : i32
        %dma_wait3A_126 = arith.constant 0 : i32
        %dma_wait3A_127 = tpu.memref_slice %arg13[%dma_wait3A_125, %dma_wait3A_126] : memref<10240x128xf32, #tpu.memory_space<vmem_shared>> -> memref<10240x128xf32, #tpu.memory_space<vmem_shared>>
        tpu.wait_indirect_dma semaphore(%run_scoped3A : memref<!tpu.dma_semaphore, #tpu.memory_space<semaphore_mem>>) src(%arg12 : memref<56x128xf32, #tpu.memory_space<vmem>>) dst(%dma_wait3A_127 : memref<10240x128xf32, #tpu.memory_space<vmem_shared>>)
        tpu.yield
      }) : () -> ()
    }
    %scan3A_25 = arith.constant 44 : i32
    %dma_wait3A = arith.constant 0 : i32
    %dma_wait3A_26 = tpu.memref_slice %arg7[%dma_wait3A] : memref<10080xi32, #tpu.memory_space<vmem>> -> memref<56xi32, #tpu.memory_space<vmem>>
    %dma_wait3A_27 = arith.constant 0 : i32
    %dma_wait3A_28 = arith.constant 0 : i32
    %dma_wait3A_29 = tpu.memref_slice %arg4[%dma_wait3A_27, %dma_wait3A_28] : memref<20000x128xf32, #tpu.memory_space<hbm>> -> memref<20000x128xf32, #tpu.memory_space<hbm>>
    tpu.wait_indirect_dma semaphore(%arg14 : memref<!tpu.dma_semaphore, #tpu.memory_space<semaphore_mem>>) src(%dma_wait3A_29 : memref<20000x128xf32, #tpu.memory_space<hbm>>) dst(%arg9 : memref<56x128xf32, #tpu.memory_space<vmem>>)
    %dma_start3A_30 = arith.constant 10024 : i32
    %dma_start3A_31 = tpu.memref_slice %arg7[%dma_start3A_30] : memref<10080xi32, #tpu.memory_space<vmem>> -> memref<56xi32, #tpu.memory_space<vmem>>
    %dma_start3A_32 = arith.constant 0 : i32
    %dma_start3A_33 = arith.constant 0 : i32
    %dma_start3A_34 = tpu.memref_slice %arg4[%dma_start3A_32, %dma_start3A_33] : memref<20000x128xf32, #tpu.memory_space<hbm>> -> memref<20000x128xf32, #tpu.memory_space<hbm>>
    tpu.enqueue_indirect_dma source(%dma_start3A_34 : memref<20000x128xf32, #tpu.memory_space<hbm>>) target(%arg12 : memref<56x128xf32, #tpu.memory_space<vmem>>) offsets(%dma_start3A_31 : memref<56xi32, #tpu.memory_space<vmem>>) semaphore(%arg17 : memref<!tpu.dma_semaphore, #tpu.memory_space<semaphore_mem>>)
    "tpu.region"() ({
      %run_scoped3A = tpu.sem_alloc : memref<!tpu.dma_semaphore, #tpu.memory_space<semaphore_mem>>
      %dma_start3A_51 = arith.constant 9856 : i32
      %dma_start3A_52 = tpu.memref_slice %arg8[%dma_start3A_51] : memref<10080xi32, #tpu.memory_space<vmem>> -> memref<56xi32, #tpu.memory_space<vmem>>
      %dma_start3A_53 = arith.constant 0 : i32
      %dma_start3A_54 = arith.constant 0 : i32
      %dma_start3A_55 = tpu.memref_slice %arg13[%dma_start3A_53, %dma_start3A_54] : memref<10240x128xf32, #tpu.memory_space<vmem_shared>> -> memref<10240x128xf32, #tpu.memory_space<vmem_shared>>
      tpu.enqueue_indirect_dma source(%arg9 : memref<56x128xf32, #tpu.memory_space<vmem>>) target(%dma_start3A_55 : memref<10240x128xf32, #tpu.memory_space<vmem_shared>>) offsets(%dma_start3A_52 : memref<56xi32, #tpu.memory_space<vmem>>) semaphore(%run_scoped3A : memref<!tpu.dma_semaphore, #tpu.memory_space<semaphore_mem>>) {add = true}
      %dma_wait3A_56 = arith.constant 9856 : i32
      %dma_wait3A_57 = tpu.memref_slice %arg8[%dma_wait3A_56] : memref<10080xi32, #tpu.memory_space<vmem>> -> memref<56xi32, #tpu.memory_space<vmem>>
      %dma_wait3A_58 = arith.constant 0 : i32
      %dma_wait3A_59 = arith.constant 0 : i32
      %dma_wait3A_60 = tpu.memref_slice %arg13[%dma_wait3A_58, %dma_wait3A_59] : memref<10240x128xf32, #tpu.memory_space<vmem_shared>> -> memref<10240x128xf32, #tpu.memory_space<vmem_shared>>
      tpu.wait_indirect_dma semaphore(%run_scoped3A : memref<!tpu.dma_semaphore, #tpu.memory_space<semaphore_mem>>) src(%arg9 : memref<56x128xf32, #tpu.memory_space<vmem>>) dst(%dma_wait3A_60 : memref<10240x128xf32, #tpu.memory_space<vmem_shared>>)
      tpu.yield
    }) : () -> ()
    %dma_wait3A_35 = arith.constant 0 : i32
    %dma_wait3A_36 = tpu.memref_slice %arg7[%dma_wait3A_35] : memref<10080xi32, #tpu.memory_space<vmem>> -> memref<56xi32, #tpu.memory_space<vmem>>
    %dma_wait3A_37 = arith.constant 0 : i32
    %dma_wait3A_38 = arith.constant 0 : i32
    %dma_wait3A_39 = tpu.memref_slice %arg4[%dma_wait3A_37, %dma_wait3A_38] : memref<20000x128xf32, #tpu.memory_space<hbm>> -> memref<20000x128xf32, #tpu.memory_space<hbm>>
    tpu.wait_indirect_dma semaphore(%arg15 : memref<!tpu.dma_semaphore, #tpu.memory_space<semaphore_mem>>) src(%dma_wait3A_39 : memref<20000x128xf32, #tpu.memory_space<hbm>>) dst(%arg10 : memref<56x128xf32, #tpu.memory_space<vmem>>)
    "tpu.region"() ({
      %run_scoped3A = tpu.sem_alloc : memref<!tpu.dma_semaphore, #tpu.memory_space<semaphore_mem>>
      %dma_start3A_51 = arith.constant 9912 : i32
      %dma_start3A_52 = tpu.memref_slice %arg8[%dma_start3A_51] : memref<10080xi32, #tpu.memory_space<vmem>> -> memref<56xi32, #tpu.memory_space<vmem>>
      %dma_start3A_53 = arith.constant 0 : i32
      %dma_start3A_54 = arith.constant 0 : i32
      %dma_start3A_55 = tpu.memref_slice %arg13[%dma_start3A_53, %dma_start3A_54] : memref<10240x128xf32, #tpu.memory_space<vmem_shared>> -> memref<10240x128xf32, #tpu.memory_space<vmem_shared>>
      tpu.enqueue_indirect_dma source(%arg10 : memref<56x128xf32, #tpu.memory_space<vmem>>) target(%dma_start3A_55 : memref<10240x128xf32, #tpu.memory_space<vmem_shared>>) offsets(%dma_start3A_52 : memref<56xi32, #tpu.memory_space<vmem>>) semaphore(%run_scoped3A : memref<!tpu.dma_semaphore, #tpu.memory_space<semaphore_mem>>) {add = true}
      %dma_wait3A_56 = arith.constant 9912 : i32
      %dma_wait3A_57 = tpu.memref_slice %arg8[%dma_wait3A_56] : memref<10080xi32, #tpu.memory_space<vmem>> -> memref<56xi32, #tpu.memory_space<vmem>>
      %dma_wait3A_58 = arith.constant 0 : i32
      %dma_wait3A_59 = arith.constant 0 : i32
      %dma_wait3A_60 = tpu.memref_slice %arg13[%dma_wait3A_58, %dma_wait3A_59] : memref<10240x128xf32, #tpu.memory_space<vmem_shared>> -> memref<10240x128xf32, #tpu.memory_space<vmem_shared>>
      tpu.wait_indirect_dma semaphore(%run_scoped3A : memref<!tpu.dma_semaphore, #tpu.memory_space<semaphore_mem>>) src(%arg10 : memref<56x128xf32, #tpu.memory_space<vmem>>) dst(%dma_wait3A_60 : memref<10240x128xf32, #tpu.memory_space<vmem_shared>>)
      tpu.yield
    }) : () -> ()
    %dma_wait3A_40 = arith.constant 0 : i32
    %dma_wait3A_41 = tpu.memref_slice %arg7[%dma_wait3A_40] : memref<10080xi32, #tpu.memory_space<vmem>> -> memref<56xi32, #tpu.memory_space<vmem>>
    %dma_wait3A_42 = arith.constant 0 : i32
    %dma_wait3A_43 = arith.constant 0 : i32
    %dma_wait3A_44 = tpu.memref_slice %arg4[%dma_wait3A_42, %dma_wait3A_43] : memref<20000x128xf32, #tpu.memory_space<hbm>> -> memref<20000x128xf32, #tpu.memory_space<hbm>>
    tpu.wait_indirect_dma semaphore(%arg16 : memref<!tpu.dma_semaphore, #tpu.memory_space<semaphore_mem>>) src(%dma_wait3A_44 : memref<20000x128xf32, #tpu.memory_space<hbm>>) dst(%arg11 : memref<56x128xf32, #tpu.memory_space<vmem>>)
    "tpu.region"() ({
      %run_scoped3A = tpu.sem_alloc : memref<!tpu.dma_semaphore, #tpu.memory_space<semaphore_mem>>
      %dma_start3A_51 = arith.constant 9968 : i32
      %dma_start3A_52 = tpu.memref_slice %arg8[%dma_start3A_51] : memref<10080xi32, #tpu.memory_space<vmem>> -> memref<56xi32, #tpu.memory_space<vmem>>
      %dma_start3A_53 = arith.constant 0 : i32
      %dma_start3A_54 = arith.constant 0 : i32
      %dma_start3A_55 = tpu.memref_slice %arg13[%dma_start3A_53, %dma_start3A_54] : memref<10240x128xf32, #tpu.memory_space<vmem_shared>> -> memref<10240x128xf32, #tpu.memory_space<vmem_shared>>
      tpu.enqueue_indirect_dma source(%arg11 : memref<56x128xf32, #tpu.memory_space<vmem>>) target(%dma_start3A_55 : memref<10240x128xf32, #tpu.memory_space<vmem_shared>>) offsets(%dma_start3A_52 : memref<56xi32, #tpu.memory_space<vmem>>) semaphore(%run_scoped3A : memref<!tpu.dma_semaphore, #tpu.memory_space<semaphore_mem>>) {add = true}
      %dma_wait3A_56 = arith.constant 9968 : i32
      %dma_wait3A_57 = tpu.memref_slice %arg8[%dma_wait3A_56] : memref<10080xi32, #tpu.memory_space<vmem>> -> memref<56xi32, #tpu.memory_space<vmem>>
      %dma_wait3A_58 = arith.constant 0 : i32
      %dma_wait3A_59 = arith.constant 0 : i32
      %dma_wait3A_60 = tpu.memref_slice %arg13[%dma_wait3A_58, %dma_wait3A_59] : memref<10240x128xf32, #tpu.memory_space<vmem_shared>> -> memref<10240x128xf32, #tpu.memory_space<vmem_shared>>
      tpu.wait_indirect_dma semaphore(%run_scoped3A : memref<!tpu.dma_semaphore, #tpu.memory_space<semaphore_mem>>) src(%arg11 : memref<56x128xf32, #tpu.memory_space<vmem>>) dst(%dma_wait3A_60 : memref<10240x128xf32, #tpu.memory_space<vmem_shared>>)
      tpu.yield
    }) : () -> ()
    %dma_wait3A_45 = arith.constant 0 : i32
    %dma_wait3A_46 = tpu.memref_slice %arg7[%dma_wait3A_45] : memref<10080xi32, #tpu.memory_space<vmem>> -> memref<56xi32, #tpu.memory_space<vmem>>
    %dma_wait3A_47 = arith.constant 0 : i32
    %dma_wait3A_48 = arith.constant 0 : i32
    %dma_wait3A_49 = tpu.memref_slice %arg4[%dma_wait3A_47, %dma_wait3A_48] : memref<20000x128xf32, #tpu.memory_space<hbm>> -> memref<20000x128xf32, #tpu.memory_space<hbm>>
    tpu.wait_indirect_dma semaphore(%arg17 : memref<!tpu.dma_semaphore, #tpu.memory_space<semaphore_mem>>) src(%dma_wait3A_49 : memref<20000x128xf32, #tpu.memory_space<hbm>>) dst(%arg12 : memref<56x128xf32, #tpu.memory_space<vmem>>)
    "tpu.region"() ({
      %run_scoped3A = tpu.sem_alloc : memref<!tpu.dma_semaphore, #tpu.memory_space<semaphore_mem>>
      %dma_start3A_51 = arith.constant 10024 : i32
      %dma_start3A_52 = tpu.memref_slice %arg8[%dma_start3A_51] : memref<10080xi32, #tpu.memory_space<vmem>> -> memref<56xi32, #tpu.memory_space<vmem>>
      %dma_start3A_53 = arith.constant 0 : i32
      %dma_start3A_54 = arith.constant 0 : i32
      %dma_start3A_55 = tpu.memref_slice %arg13[%dma_start3A_53, %dma_start3A_54] : memref<10240x128xf32, #tpu.memory_space<vmem_shared>> -> memref<10240x128xf32, #tpu.memory_space<vmem_shared>>
      tpu.enqueue_indirect_dma source(%arg12 : memref<56x128xf32, #tpu.memory_space<vmem>>) target(%dma_start3A_55 : memref<10240x128xf32, #tpu.memory_space<vmem_shared>>) offsets(%dma_start3A_52 : memref<56xi32, #tpu.memory_space<vmem>>) semaphore(%run_scoped3A : memref<!tpu.dma_semaphore, #tpu.memory_space<semaphore_mem>>) {add = true}
      %dma_wait3A_56 = arith.constant 10024 : i32
      %dma_wait3A_57 = tpu.memref_slice %arg8[%dma_wait3A_56] : memref<10080xi32, #tpu.memory_space<vmem>> -> memref<56xi32, #tpu.memory_space<vmem>>
      %dma_wait3A_58 = arith.constant 0 : i32
      %dma_wait3A_59 = arith.constant 0 : i32
      %dma_wait3A_60 = tpu.memref_slice %arg13[%dma_wait3A_58, %dma_wait3A_59] : memref<10240x128xf32, #tpu.memory_space<vmem_shared>> -> memref<10240x128xf32, #tpu.memory_space<vmem_shared>>
      tpu.wait_indirect_dma semaphore(%run_scoped3A : memref<!tpu.dma_semaphore, #tpu.memory_space<semaphore_mem>>) src(%arg12 : memref<56x128xf32, #tpu.memory_space<vmem>>) dst(%dma_wait3A_60 : memref<10240x128xf32, #tpu.memory_space<vmem_shared>>)
      tpu.yield
    }) : () -> ()
    %barrier3A_50 = arith.constant 0 : index
    tpu.barrier barrier_id(%barrier3A_50)
    "tpu.region"() ({
      %run_scoped3A = tpu.sem_alloc : memref<!tpu.dma_semaphore, #tpu.memory_space<semaphore_mem>>
      %dma_start3A_51 = arith.constant 0 : i32
      %dma_start3A_52 = tpu.memref_slice %arg6[%arg0, %mul3A_0, %dma_start3A_51] : memref<2x10240x128xf32, #tpu.memory_space<hbm>> -> memref<1x640x128xf32, #tpu.memory_space<hbm>>
      %dma_start3A_53 = tpu.memref_squeeze %dma_start3A_52 : memref<1x640x128xf32, #tpu.memory_space<hbm>> -> memref<640x128xf32, #tpu.memory_space<hbm>>
      %dma_start3A_54 = arith.constant 0 : i32
      %dma_start3A_55 = tpu.memref_slice %arg13[%mul3A_0, %dma_start3A_54] : memref<10240x128xf32, #tpu.memory_space<vmem_shared>> -> memref<640x128xf32, #tpu.memory_space<vmem_shared>>
      tpu.enqueue_dma source(%dma_start3A_55 : memref<640x128xf32, #tpu.memory_space<vmem_shared>>) target(%dma_start3A_53 : memref<640x128xf32, #tpu.memory_space<hbm>>) target_semaphore(%run_scoped3A : memref<!tpu.dma_semaphore, #tpu.memory_space<semaphore_mem>>)
      %dma_wait3A_56 = arith.constant 0 : i32
      %dma_wait3A_57 = tpu.memref_slice %arg6[%arg0, %mul3A_0, %dma_wait3A_56] : memref<2x10240x128xf32, #tpu.memory_space<hbm>> -> memref<1x640x128xf32, #tpu.memory_space<hbm>>
      %dma_wait3A_58 = tpu.memref_squeeze %dma_wait3A_57 : memref<1x640x128xf32, #tpu.memory_space<hbm>> -> memref<640x128xf32, #tpu.memory_space<hbm>>
      %dma_wait3A_59 = arith.constant 0 : i32
      %dma_wait3A_60 = tpu.memref_slice %arg13[%mul3A_0, %dma_wait3A_59] : memref<10240x128xf32, #tpu.memory_space<vmem_shared>> -> memref<640x128xf32, #tpu.memory_space<vmem_shared>>
      tpu.wait_dma2 semaphore(%run_scoped3A : memref<!tpu.dma_semaphore, #tpu.memory_space<semaphore_mem>>) src(%dma_wait3A_60 : memref<640x128xf32, #tpu.memory_space<vmem_shared>>) dst(%dma_wait3A_58 : memref<640x128xf32, #tpu.memory_space<hbm>>)
      tpu.yield
    }) : () -> ()
    return
  }
}

#map = affine_map<(d0, d1) -> (0)>
#map1 = affine_map<(d0, d1) -> (0, 0)>
#map2 = affine_map<(d0, d1) -> (0, 0, 0)>
module attributes {stable_mosaic.version = 14 : i64} {
  func.func @k(%arg0: i32, %arg1: i32, %arg2: memref<322560xi32, #tpu.memory_space<hbm>>, %arg3: memref<161280xi32, #tpu.memory_space<hbm>>, %arg4: memref<20000x128xf32, #tpu.memory_space<hbm>>, %arg5: memref<640x128xf32, #tpu.memory_space<hbm>>, %arg6: memref<2x10240x128xf32, #tpu.memory_space<hbm>>, %arg7: memref<10080xi32, #tpu.memory_space<vmem>>, %arg8: memref<10080xi32, #tpu.memory_space<vmem>>, %arg9: memref<56x128xf32, #tpu.memory_space<vmem>>, %arg10: memref<56x128xf32, #tpu.memory_space<vmem>>, %arg11: memref<56x128xf32, #tpu.memory_space<vmem>>, %arg12: memref<56x128xf32, #tpu.memory_space<vmem>>, %arg13: memref<10240x128xf32, #tpu.memory_space<vmem_shared>>, %arg14: memref<!tpu.dma_semaphore, #tpu.memory_space<semaphore_mem>>, %arg15: memref<!tpu.dma_semaphore, #tpu.memory_space<semaphore_mem>>, %arg16: memref<!tpu.dma_semaphore, #tpu.memory_space<semaphore_mem>>, %arg17: memref<!tpu.dma_semaphore, #tpu.memory_space<semaphore_mem>>) attributes {dimension_semantics = [#tpu.dimension_semantics<core_parallel>, #tpu.dimension_semantics<subcore_parallel>], iteration_bounds = array<i64: 2, 16>, scalar_prefetch = 0 : i64, scratch_operands = 11 : i64, tpu.core_type = #tpu.core_type<sc_vector_subcore>, window_params = [{transform_indices = #map}, {transform_indices = #map}, {transform_indices = #map1}, {transform_indices = #map1}, {transform_indices = #map2}]} {
    %mul3A = arith.constant 640 : i32
    %mul3A_0 = arith.muli %arg1, %mul3A : i32
    %mul3A_1 = arith.constant 16 : i32
    %mul3A_2 = arith.muli %arg0, %mul3A_1 : i32
    %add3A = arith.addi %mul3A_2, %arg1 : i32
    %mul3A_3 = arith.constant 10080 : i32
    %mul3A_4 = arith.muli %add3A, %mul3A_3 : i32
    "tpu.region"() ({
      %run_scoped3A = tpu.sem_alloc : memref<!tpu.dma_semaphore, #tpu.memory_space<semaphore_mem>>
      %dma_start3A_51 = tpu.memref_slice %arg2[%mul3A_4] : memref<322560xi32, #tpu.memory_space<hbm>> -> memref<10080xi32, #tpu.memory_space<hbm>>
      %dma_start3A_52 = tpu.memref_slice %arg2[%mul3A_4] : memref<322560xi32, #tpu.memory_space<hbm>> -> memref<10080xi32, #tpu.memory_space<hbm>>
      tpu.enqueue_dma source(%dma_start3A_52 : memref<10080xi32, #tpu.memory_space<hbm>>) target(%arg7 : memref<10080xi32, #tpu.memory_space<vmem>>) target_semaphore(%run_scoped3A : memref<!tpu.dma_semaphore, #tpu.memory_space<semaphore_mem>>)
      %dma_wait3A_53 = tpu.memref_slice %arg2[%mul3A_4] : memref<322560xi32, #tpu.memory_space<hbm>> -> memref<10080xi32, #tpu.memory_space<hbm>>
      %dma_wait3A_54 = tpu.memref_slice %arg2[%mul3A_4] : memref<322560xi32, #tpu.memory_space<hbm>> -> memref<10080xi32, #tpu.memory_space<hbm>>
      tpu.wait_dma2 semaphore(%run_scoped3A : memref<!tpu.dma_semaphore, #tpu.memory_space<semaphore_mem>>) src(%dma_wait3A_54 : memref<10080xi32, #tpu.memory_space<hbm>>) dst(%arg7 : memref<10080xi32, #tpu.memory_space<vmem>>)
      tpu.yield
    }) : () -> ()
    %mul3A_5 = arith.constant 10080 : i32
    %mul3A_6 = arith.muli %arg1, %mul3A_5 : i32
    "tpu.region"() ({
      %run_scoped3A = tpu.sem_alloc : memref<!tpu.dma_semaphore, #tpu.memory_space<semaphore_mem>>
      %dma_start3A_51 = tpu.memref_slice %arg3[%mul3A_6] : memref<161280xi32, #tpu.memory_space<hbm>> -> memref<10080xi32, #tpu.memory_space<hbm>>
      %dma_start3A_52 = tpu.memref_slice %arg3[%mul3A_6] : memref<161280xi32, #tpu.memory_space<hbm>> -> memref<10080xi32, #tpu.memory_space<hbm>>
      tpu.enqueue_dma source(%dma_start3A_52 : memref<10080xi32, #tpu.memory_space<hbm>>) target(%arg8 : memref<10080xi32, #tpu.memory_space<vmem>>) target_semaphore(%run_scoped3A : memref<!tpu.dma_semaphore, #tpu.memory_space<semaphore_mem>>)
      %dma_wait3A_53 = tpu.memref_slice %arg3[%mul3A_6] : memref<161280xi32, #tpu.memory_space<hbm>> -> memref<10080xi32, #tpu.memory_space<hbm>>
      %dma_wait3A_54 = tpu.memref_slice %arg3[%mul3A_6] : memref<161280xi32, #tpu.memory_space<hbm>> -> memref<10080xi32, #tpu.memory_space<hbm>>
      tpu.wait_dma2 semaphore(%run_scoped3A : memref<!tpu.dma_semaphore, #tpu.memory_space<semaphore_mem>>) src(%dma_wait3A_54 : memref<10080xi32, #tpu.memory_space<hbm>>) dst(%arg8 : memref<10080xi32, #tpu.memory_space<vmem>>)
      tpu.yield
    }) : () -> ()
    "tpu.region"() ({
      %run_scoped3A = tpu.sem_alloc : memref<!tpu.dma_semaphore, #tpu.memory_space<semaphore_mem>>
      %dma_start3A_51 = arith.constant 0 : i32
      %dma_start3A_52 = tpu.memref_slice %arg13[%mul3A_0, %dma_start3A_51] : memref<10240x128xf32, #tpu.memory_space<vmem_shared>> -> memref<640x128xf32, #tpu.memory_space<vmem_shared>>
      tpu.enqueue_dma source(%arg5 : memref<640x128xf32, #tpu.memory_space<hbm>>) target(%dma_start3A_52 : memref<640x128xf32, #tpu.memory_space<vmem_shared>>) target_semaphore(%run_scoped3A : memref<!tpu.dma_semaphore, #tpu.memory_space<semaphore_mem>>)
      %dma_wait3A_53 = arith.constant 0 : i32
      %dma_wait3A_54 = tpu.memref_slice %arg13[%mul3A_0, %dma_wait3A_53] : memref<10240x128xf32, #tpu.memory_space<vmem_shared>> -> memref<640x128xf32, #tpu.memory_space<vmem_shared>>
      tpu.wait_dma2 semaphore(%run_scoped3A : memref<!tpu.dma_semaphore, #tpu.memory_space<semaphore_mem>>) src(%arg5 : memref<640x128xf32, #tpu.memory_space<hbm>>) dst(%dma_wait3A_54 : memref<640x128xf32, #tpu.memory_space<vmem_shared>>)
      tpu.yield
    }) : () -> ()
    %dma_start3A = arith.constant 0 : i32
    %dma_start3A_7 = tpu.memref_slice %arg7[%dma_start3A] : memref<10080xi32, #tpu.memory_space<vmem>> -> memref<56xi32, #tpu.memory_space<vmem>>
    %dma_start3A_8 = arith.constant 0 : i32
    %dma_start3A_9 = arith.constant 0 : i32
    %dma_start3A_10 = tpu.memref_slice %arg4[%dma_start3A_8, %dma_start3A_9] : memref<20000x128xf32, #tpu.memory_space<hbm>> -> memref<20000x128xf32, #tpu.memory_space<hbm>>
    tpu.enqueue_indirect_dma source(%dma_start3A_10 : memref<20000x128xf32, #tpu.memory_space<hbm>>) target(%arg9 : memref<56x128xf32, #tpu.memory_space<vmem>>) offsets(%dma_start3A_7 : memref<56xi32, #tpu.memory_space<vmem>>) semaphore(%arg14 : memref<!tpu.dma_semaphore, #tpu.memory_space<semaphore_mem>>)
    %dma_start3A_11 = arith.constant 56 : i32
    %dma_start3A_12 = tpu.memref_slice %arg7[%dma_start3A_11] : memref<10080xi32, #tpu.memory_space<vmem>> -> memref<56xi32, #tpu.memory_space<vmem>>
    %dma_start3A_13 = arith.constant 0 : i32
    %dma_start3A_14 = arith.constant 0 : i32
    %dma_start3A_15 = tpu.memref_slice %arg4[%dma_start3A_13, %dma_start3A_14] : memref<20000x128xf32, #tpu.memory_space<hbm>> -> memref<20000x128xf32, #tpu.memory_space<hbm>>
    tpu.enqueue_indirect_dma source(%dma_start3A_15 : memref<20000x128xf32, #tpu.memory_space<hbm>>) target(%arg10 : memref<56x128xf32, #tpu.memory_space<vmem>>) offsets(%dma_start3A_12 : memref<56xi32, #tpu.memory_space<vmem>>) semaphore(%arg15 : memref<!tpu.dma_semaphore, #tpu.memory_space<semaphore_mem>>)
    %dma_start3A_16 = arith.constant 112 : i32
    %dma_start3A_17 = tpu.memref_slice %arg7[%dma_start3A_16] : memref<10080xi32, #tpu.memory_space<vmem>> -> memref<56xi32, #tpu.memory_space<vmem>>
    %dma_start3A_18 = arith.constant 0 : i32
    %dma_start3A_19 = arith.constant 0 : i32
    %dma_start3A_20 = tpu.memref_slice %arg4[%dma_start3A_18, %dma_start3A_19] : memref<20000x128xf32, #tpu.memory_space<hbm>> -> memref<20000x128xf32, #tpu.memory_space<hbm>>
    tpu.enqueue_indirect_dma source(%dma_start3A_20 : memref<20000x128xf32, #tpu.memory_space<hbm>>) target(%arg11 : memref<56x128xf32, #tpu.memory_space<vmem>>) offsets(%dma_start3A_17 : memref<56xi32, #tpu.memory_space<vmem>>) semaphore(%arg16 : memref<!tpu.dma_semaphore, #tpu.memory_space<semaphore_mem>>)
    %barrier3A = arith.constant 0 : index
    tpu.barrier barrier_id(%barrier3A)
    %scan3A = arith.constant 0 : i32
    %scan3A_21 = arith.constant 0 : i32
    %scan3A_22 = arith.constant 44 : i32
    %scan3A_23 = arith.addi %scan3A_21, %scan3A_22 : i32
    %scan3A_24 = arith.constant 1 : i32
    scf.for %scan3A_51 = %scan3A_21 to %scan3A_23 step %scan3A_24  : i32 {
      %mul3A_52 = arith.constant 4 : i32
      %mul3A_53 = arith.muli %mul3A_52, %scan3A_51 : i32
      %dma_wait3A_54 = arith.constant 0 : i32
      %dma_wait3A_55 = tpu.memref_slice %arg7[%dma_wait3A_54] : memref<10080xi32, #tpu.memory_space<vmem>> -> memref<56xi32, #tpu.memory_space<vmem>>
      %dma_wait3A_56 = arith.constant 0 : i32
      %dma_wait3A_57 = arith.constant 0 : i32
      %dma_wait3A_58 = tpu.memref_slice %arg4[%dma_wait3A_56, %dma_wait3A_57] : memref<20000x128xf32, #tpu.memory_space<hbm>> -> memref<20000x128xf32, #tpu.memory_space<hbm>>
      tpu.wait_indirect_dma semaphore(%arg14 : memref<!tpu.dma_semaphore, #tpu.memory_space<semaphore_mem>>) src(%dma_wait3A_58 : memref<20000x128xf32, #tpu.memory_space<hbm>>) dst(%arg9 : memref<56x128xf32, #tpu.memory_space<vmem>>)
      %add3A_59 = arith.constant 3 : i32
      %add3A_60 = arith.addi %mul3A_53, %add3A_59 : i32
      %mul3A_61 = arith.constant 56 : i32
      %mul3A_62 = arith.muli %add3A_60, %mul3A_61 : i32
      %dma_start3A_63 = tpu.memref_slice %arg7[%mul3A_62] : memref<10080xi32, #tpu.memory_space<vmem>> -> memref<56xi32, #tpu.memory_space<vmem>>
      %dma_start3A_64 = arith.constant 0 : i32
      %dma_start3A_65 = arith.constant 0 : i32
      %dma_start3A_66 = tpu.memref_slice %arg4[%dma_start3A_64, %dma_start3A_65] : memref<20000x128xf32, #tpu.memory_space<hbm>> -> memref<20000x128xf32, #tpu.memory_space<hbm>>
      tpu.enqueue_indirect_dma source(%dma_start3A_66 : memref<20000x128xf32, #tpu.memory_space<hbm>>) target(%arg12 : memref<56x128xf32, #tpu.memory_space<vmem>>) offsets(%dma_start3A_63 : memref<56xi32, #tpu.memory_space<vmem>>) semaphore(%arg17 : memref<!tpu.dma_semaphore, #tpu.memory_space<semaphore_mem>>)
      %mul3A_67 = arith.constant 56 : i32
      %mul3A_68 = arith.muli %mul3A_53, %mul3A_67 : i32
      "tpu.region"() ({
        %run_scoped3A = tpu.sem_alloc : memref<!tpu.dma_semaphore, #tpu.memory_space<semaphore_mem>>
        %dma_start3A_120 = tpu.memref_slice %arg8[%mul3A_68] : memref<10080xi32, #tpu.memory_space<vmem>> -> memref<56xi32, #tpu.memory_space<vmem>>
        %dma_start3A_121 = arith.constant 0 : i32
        %dma_start3A_122 = arith.constant 0 : i32
        %dma_start3A_123 = tpu.memref_slice %arg13[%dma_start3A_121, %dma_start3A_122] : memref<10240x128xf32, #tpu.memory_space<vmem_shared>> -> memref<10240x128xf32, #tpu.memory_space<vmem_shared>>
        tpu.enqueue_indirect_dma source(%arg9 : memref<56x128xf32, #tpu.memory_space<vmem>>) target(%dma_start3A_123 : memref<10240x128xf32, #tpu.memory_space<vmem_shared>>) offsets(%dma_start3A_120 : memref<56xi32, #tpu.memory_space<vmem>>) semaphore(%run_scoped3A : memref<!tpu.dma_semaphore, #tpu.memory_space<semaphore_mem>>) {add = true}
        %dma_wait3A_124 = tpu.memref_slice %arg8[%mul3A_68] : memref<10080xi32, #tpu.memory_space<vmem>> -> memref<56xi32, #tpu.memory_space<vmem>>
        %dma_wait3A_125 = arith.constant 0 : i32
        %dma_wait3A_126 = arith.constant 0 : i32
        %dma_wait3A_127 = tpu.memref_slice %arg13[%dma_wait3A_125, %dma_wait3A_126] : memref<10240x128xf32, #tpu.memory_space<vmem_shared>> -> memref<10240x128xf32, #tpu.memory_space<vmem_shared>>
        tpu.wait_indirect_dma semaphore(%run_scoped3A : memref<!tpu.dma_semaphore, #tpu.memory_space<semaphore_mem>>) src(%arg9 : memref<56x128xf32, #tpu.memory_space<vmem>>) dst(%dma_wait3A_127 : memref<10240x128xf32, #tpu.memory_space<vmem_shared>>)
        tpu.yield
      }) : () -> ()
      %dma_wait3A_69 = arith.constant 0 : i32
      %dma_wait3A_70 = tpu.memref_slice %arg7[%dma_wait3A_69] : memref<10080xi32, #tpu.memory_space<vmem>> -> memref<56xi32, #tpu.memory_space<vmem>>
      %dma_wait3A_71 = arith.constant 0 : i32
      %dma_wait3A_72 = arith.constant 0 : i32
      %dma_wait3A_73 = tpu.memref_slice %arg4[%dma_wait3A_71, %dma_wait3A_72] : memref<20000x128xf32, #tpu.memory_space<hbm>> -> memref<20000x128xf32, #tpu.memory_space<hbm>>
      tpu.wait_indirect_dma semaphore(%arg15 : memref<!tpu.dma_semaphore, #tpu.memory_space<semaphore_mem>>) src(%dma_wait3A_73 : memref<20000x128xf32, #tpu.memory_space<hbm>>) dst(%arg10 : memref<56x128xf32, #tpu.memory_space<vmem>>)
      %add3A_74 = arith.constant 4 : i32
      %add3A_75 = arith.addi %mul3A_53, %add3A_74 : i32
      %mul3A_76 = arith.constant 56 : i32
      %mul3A_77 = arith.muli %add3A_75, %mul3A_76 : i32
      %dma_start3A_78 = tpu.memref_slice %arg7[%mul3A_77] : memref<10080xi32, #tpu.memory_space<vmem>> -> memref<56xi32, #tpu.memory_space<vmem>>
      %dma_start3A_79 = arith.constant 0 : i32
      %dma_start3A_80 = arith.constant 0 : i32
      %dma_start3A_81 = tpu.memref_slice %arg4[%dma_start3A_79, %dma_start3A_80] : memref<20000x128xf32, #tpu.memory_space<hbm>> -> memref<20000x128xf32, #tpu.memory_space<hbm>>
      tpu.enqueue_indirect_dma source(%dma_start3A_81 : memref<20000x128xf32, #tpu.memory_space<hbm>>) target(%arg9 : memref<56x128xf32, #tpu.memory_space<vmem>>) offsets(%dma_start3A_78 : memref<56xi32, #tpu.memory_space<vmem>>) semaphore(%arg14 : memref<!tpu.dma_semaphore, #tpu.memory_space<semaphore_mem>>)
      %add3A_82 = arith.constant 1 : i32
      %add3A_83 = arith.addi %mul3A_53, %add3A_82 : i32
      %mul3A_84 = arith.constant 56 : i32
      %mul3A_85 = arith.muli %add3A_83, %mul3A_84 : i32
      "tpu.region"() ({
        %run_scoped3A = tpu.sem_alloc : memref<!tpu.dma_semaphore, #tpu.memory_space<semaphore_mem>>
        %dma_start3A_120 = tpu.memref_slice %arg8[%mul3A_85] : memref<10080xi32, #tpu.memory_space<vmem>> -> memref<56xi32, #tpu.memory_space<vmem>>
        %dma_start3A_121 = arith.constant 0 : i32
        %dma_start3A_122 = arith.constant 0 : i32
        %dma_start3A_123 = tpu.memref_slice %arg13[%dma_start3A_121, %dma_start3A_122] : memref<10240x128xf32, #tpu.memory_space<vmem_shared>> -> memref<10240x128xf32, #tpu.memory_space<vmem_shared>>
        tpu.enqueue_indirect_dma source(%arg10 : memref<56x128xf32, #tpu.memory_space<vmem>>) target(%dma_start3A_123 : memref<10240x128xf32, #tpu.memory_space<vmem_shared>>) offsets(%dma_start3A_120 : memref<56xi32, #tpu.memory_space<vmem>>) semaphore(%run_scoped3A : memref<!tpu.dma_semaphore, #tpu.memory_space<semaphore_mem>>) {add = true}
        %dma_wait3A_124 = tpu.memref_slice %arg8[%mul3A_85] : memref<10080xi32, #tpu.memory_space<vmem>> -> memref<56xi32, #tpu.memory_space<vmem>>
        %dma_wait3A_125 = arith.constant 0 : i32
        %dma_wait3A_126 = arith.constant 0 : i32
        %dma_wait3A_127 = tpu.memref_slice %arg13[%dma_wait3A_125, %dma_wait3A_126] : memref<10240x128xf32, #tpu.memory_space<vmem_shared>> -> memref<10240x128xf32, #tpu.memory_space<vmem_shared>>
        tpu.wait_indirect_dma semaphore(%run_scoped3A : memref<!tpu.dma_semaphore, #tpu.memory_space<semaphore_mem>>) src(%arg10 : memref<56x128xf32, #tpu.memory_space<vmem>>) dst(%dma_wait3A_127 : memref<10240x128xf32, #tpu.memory_space<vmem_shared>>)
        tpu.yield
      }) : () -> ()
      %dma_wait3A_86 = arith.constant 0 : i32
      %dma_wait3A_87 = tpu.memref_slice %arg7[%dma_wait3A_86] : memref<10080xi32, #tpu.memory_space<vmem>> -> memref<56xi32, #tpu.memory_space<vmem>>
      %dma_wait3A_88 = arith.constant 0 : i32
      %dma_wait3A_89 = arith.constant 0 : i32
      %dma_wait3A_90 = tpu.memref_slice %arg4[%dma_wait3A_88, %dma_wait3A_89] : memref<20000x128xf32, #tpu.memory_space<hbm>> -> memref<20000x128xf32, #tpu.memory_space<hbm>>
      tpu.wait_indirect_dma semaphore(%arg16 : memref<!tpu.dma_semaphore, #tpu.memory_space<semaphore_mem>>) src(%dma_wait3A_90 : memref<20000x128xf32, #tpu.memory_space<hbm>>) dst(%arg11 : memref<56x128xf32, #tpu.memory_space<vmem>>)
      %add3A_91 = arith.constant 5 : i32
      %add3A_92 = arith.addi %mul3A_53, %add3A_91 : i32
      %mul3A_93 = arith.constant 56 : i32
      %mul3A_94 = arith.muli %add3A_92, %mul3A_93 : i32
      %dma_start3A_95 = tpu.memref_slice %arg7[%mul3A_94] : memref<10080xi32, #tpu.memory_space<vmem>> -> memref<56xi32, #tpu.memory_space<vmem>>
      %dma_start3A_96 = arith.constant 0 : i32
      %dma_start3A_97 = arith.constant 0 : i32
      %dma_start3A_98 = tpu.memref_slice %arg4[%dma_start3A_96, %dma_start3A_97] : memref<20000x128xf32, #tpu.memory_space<hbm>> -> memref<20000x128xf32, #tpu.memory_space<hbm>>
      tpu.enqueue_indirect_dma source(%dma_start3A_98 : memref<20000x128xf32, #tpu.memory_space<hbm>>) target(%arg10 : memref<56x128xf32, #tpu.memory_space<vmem>>) offsets(%dma_start3A_95 : memref<56xi32, #tpu.memory_space<vmem>>) semaphore(%arg15 : memref<!tpu.dma_semaphore, #tpu.memory_space<semaphore_mem>>)
      %add3A_99 = arith.constant 2 : i32
      %add3A_100 = arith.addi %mul3A_53, %add3A_99 : i32
      %mul3A_101 = arith.constant 56 : i32
      %mul3A_102 = arith.muli %add3A_100, %mul3A_101 : i32
      "tpu.region"() ({
        %run_scoped3A = tpu.sem_alloc : memref<!tpu.dma_semaphore, #tpu.memory_space<semaphore_mem>>
        %dma_start3A_120 = tpu.memref_slice %arg8[%mul3A_102] : memref<10080xi32, #tpu.memory_space<vmem>> -> memref<56xi32, #tpu.memory_space<vmem>>
        %dma_start3A_121 = arith.constant 0 : i32
        %dma_start3A_122 = arith.constant 0 : i32
        %dma_start3A_123 = tpu.memref_slice %arg13[%dma_start3A_121, %dma_start3A_122] : memref<10240x128xf32, #tpu.memory_space<vmem_shared>> -> memref<10240x128xf32, #tpu.memory_space<vmem_shared>>
        tpu.enqueue_indirect_dma source(%arg11 : memref<56x128xf32, #tpu.memory_space<vmem>>) target(%dma_start3A_123 : memref<10240x128xf32, #tpu.memory_space<vmem_shared>>) offsets(%dma_start3A_120 : memref<56xi32, #tpu.memory_space<vmem>>) semaphore(%run_scoped3A : memref<!tpu.dma_semaphore, #tpu.memory_space<semaphore_mem>>) {add = true}
        %dma_wait3A_124 = tpu.memref_slice %arg8[%mul3A_102] : memref<10080xi32, #tpu.memory_space<vmem>> -> memref<56xi32, #tpu.memory_space<vmem>>
        %dma_wait3A_125 = arith.constant 0 : i32
        %dma_wait3A_126 = arith.constant 0 : i32
        %dma_wait3A_127 = tpu.memref_slice %arg13[%dma_wait3A_125, %dma_wait3A_126] : memref<10240x128xf32, #tpu.memory_space<vmem_shared>> -> memref<10240x128xf32, #tpu.memory_space<vmem_shared>>
        tpu.wait_indirect_dma semaphore(%run_scoped3A : memref<!tpu.dma_semaphore, #tpu.memory_space<semaphore_mem>>) src(%arg11 : memref<56x128xf32, #tpu.memory_space<vmem>>) dst(%dma_wait3A_127 : memref<10240x128xf32, #tpu.memory_space<vmem_shared>>)
        tpu.yield
      }) : () -> ()
      %dma_wait3A_103 = arith.constant 0 : i32
      %dma_wait3A_104 = tpu.memref_slice %arg7[%dma_wait3A_103] : memref<10080xi32, #tpu.memory_space<vmem>> -> memref<56xi32, #tpu.memory_space<vmem>>
      %dma_wait3A_105 = arith.constant 0 : i32
      %dma_wait3A_106 = arith.constant 0 : i32
      %dma_wait3A_107 = tpu.memref_slice %arg4[%dma_wait3A_105, %dma_wait3A_106] : memref<20000x128xf32, #tpu.memory_space<hbm>> -> memref<20000x128xf32, #tpu.memory_space<hbm>>
      tpu.wait_indirect_dma semaphore(%arg17 : memref<!tpu.dma_semaphore, #tpu.memory_space<semaphore_mem>>) src(%dma_wait3A_107 : memref<20000x128xf32, #tpu.memory_space<hbm>>) dst(%arg12 : memref<56x128xf32, #tpu.memory_space<vmem>>)
      %add3A_108 = arith.constant 6 : i32
      %add3A_109 = arith.addi %mul3A_53, %add3A_108 : i32
      %mul3A_110 = arith.constant 56 : i32
      %mul3A_111 = arith.muli %add3A_109, %mul3A_110 : i32
      %dma_start3A_112 = tpu.memref_slice %arg7[%mul3A_111] : memref<10080xi32, #tpu.memory_space<vmem>> -> memref<56xi32, #tpu.memory_space<vmem>>
      %dma_start3A_113 = arith.constant 0 : i32
      %dma_start3A_114 = arith.constant 0 : i32
      %dma_start3A_115 = tpu.memref_slice %arg4[%dma_start3A_113, %dma_start3A_114] : memref<20000x128xf32, #tpu.memory_space<hbm>> -> memref<20000x128xf32, #tpu.memory_space<hbm>>
      tpu.enqueue_indirect_dma source(%dma_start3A_115 : memref<20000x128xf32, #tpu.memory_space<hbm>>) target(%arg11 : memref<56x128xf32, #tpu.memory_space<vmem>>) offsets(%dma_start3A_112 : memref<56xi32, #tpu.memory_space<vmem>>) semaphore(%arg16 : memref<!tpu.dma_semaphore, #tpu.memory_space<semaphore_mem>>)
      %add3A_116 = arith.constant 3 : i32
      %add3A_117 = arith.addi %mul3A_53, %add3A_116 : i32
      %mul3A_118 = arith.constant 56 : i32
      %mul3A_119 = arith.muli %add3A_117, %mul3A_118 : i32
      "tpu.region"() ({
        %run_scoped3A = tpu.sem_alloc : memref<!tpu.dma_semaphore, #tpu.memory_space<semaphore_mem>>
        %dma_start3A_120 = tpu.memref_slice %arg8[%mul3A_119] : memref<10080xi32, #tpu.memory_space<vmem>> -> memref<56xi32, #tpu.memory_space<vmem>>
        %dma_start3A_121 = arith.constant 0 : i32
        %dma_start3A_122 = arith.constant 0 : i32
        %dma_start3A_123 = tpu.memref_slice %arg13[%dma_start3A_121, %dma_start3A_122] : memref<10240x128xf32, #tpu.memory_space<vmem_shared>> -> memref<10240x128xf32, #tpu.memory_space<vmem_shared>>
        tpu.enqueue_indirect_dma source(%arg12 : memref<56x128xf32, #tpu.memory_space<vmem>>) target(%dma_start3A_123 : memref<10240x128xf32, #tpu.memory_space<vmem_shared>>) offsets(%dma_start3A_120 : memref<56xi32, #tpu.memory_space<vmem>>) semaphore(%run_scoped3A : memref<!tpu.dma_semaphore, #tpu.memory_space<semaphore_mem>>) {add = true}
        %dma_wait3A_124 = tpu.memref_slice %arg8[%mul3A_119] : memref<10080xi32, #tpu.memory_space<vmem>> -> memref<56xi32, #tpu.memory_space<vmem>>
        %dma_wait3A_125 = arith.constant 0 : i32
        %dma_wait3A_126 = arith.constant 0 : i32
        %dma_wait3A_127 = tpu.memref_slice %arg13[%dma_wait3A_125, %dma_wait3A_126] : memref<10240x128xf32, #tpu.memory_space<vmem_shared>> -> memref<10240x128xf32, #tpu.memory_space<vmem_shared>>
        tpu.wait_indirect_dma semaphore(%run_scoped3A : memref<!tpu.dma_semaphore, #tpu.memory_space<semaphore_mem>>) src(%arg12 : memref<56x128xf32, #tpu.memory_space<vmem>>) dst(%dma_wait3A_127 : memref<10240x128xf32, #tpu.memory_space<vmem_shared>>)
        tpu.yield
      }) : () -> ()
    }
    %scan3A_25 = arith.constant 44 : i32
    %dma_wait3A = arith.constant 0 : i32
    %dma_wait3A_26 = tpu.memref_slice %arg7[%dma_wait3A] : memref<10080xi32, #tpu.memory_space<vmem>> -> memref<56xi32, #tpu.memory_space<vmem>>
    %dma_wait3A_27 = arith.constant 0 : i32
    %dma_wait3A_28 = arith.constant 0 : i32
    %dma_wait3A_29 = tpu.memref_slice %arg4[%dma_wait3A_27, %dma_wait3A_28] : memref<20000x128xf32, #tpu.memory_space<hbm>> -> memref<20000x128xf32, #tpu.memory_space<hbm>>
    tpu.wait_indirect_dma semaphore(%arg14 : memref<!tpu.dma_semaphore, #tpu.memory_space<semaphore_mem>>) src(%dma_wait3A_29 : memref<20000x128xf32, #tpu.memory_space<hbm>>) dst(%arg9 : memref<56x128xf32, #tpu.memory_space<vmem>>)
    %dma_start3A_30 = arith.constant 10024 : i32
    %dma_start3A_31 = tpu.memref_slice %arg7[%dma_start3A_30] : memref<10080xi32, #tpu.memory_space<vmem>> -> memref<56xi32, #tpu.memory_space<vmem>>
    %dma_start3A_32 = arith.constant 0 : i32
    %dma_start3A_33 = arith.constant 0 : i32
    %dma_start3A_34 = tpu.memref_slice %arg4[%dma_start3A_32, %dma_start3A_33] : memref<20000x128xf32, #tpu.memory_space<hbm>> -> memref<20000x128xf32, #tpu.memory_space<hbm>>
    tpu.enqueue_indirect_dma source(%dma_start3A_34 : memref<20000x128xf32, #tpu.memory_space<hbm>>) target(%arg12 : memref<56x128xf32, #tpu.memory_space<vmem>>) offsets(%dma_start3A_31 : memref<56xi32, #tpu.memory_space<vmem>>) semaphore(%arg17 : memref<!tpu.dma_semaphore, #tpu.memory_space<semaphore_mem>>)
    "tpu.region"() ({
      %run_scoped3A = tpu.sem_alloc : memref<!tpu.dma_semaphore, #tpu.memory_space<semaphore_mem>>
      %dma_start3A_51 = arith.constant 9856 : i32
      %dma_start3A_52 = tpu.memref_slice %arg8[%dma_start3A_51] : memref<10080xi32, #tpu.memory_space<vmem>> -> memref<56xi32, #tpu.memory_space<vmem>>
      %dma_start3A_53 = arith.constant 0 : i32
      %dma_start3A_54 = arith.constant 0 : i32
      %dma_start3A_55 = tpu.memref_slice %arg13[%dma_start3A_53, %dma_start3A_54] : memref<10240x128xf32, #tpu.memory_space<vmem_shared>> -> memref<10240x128xf32, #tpu.memory_space<vmem_shared>>
      tpu.enqueue_indirect_dma source(%arg9 : memref<56x128xf32, #tpu.memory_space<vmem>>) target(%dma_start3A_55 : memref<10240x128xf32, #tpu.memory_space<vmem_shared>>) offsets(%dma_start3A_52 : memref<56xi32, #tpu.memory_space<vmem>>) semaphore(%run_scoped3A : memref<!tpu.dma_semaphore, #tpu.memory_space<semaphore_mem>>) {add = true}
      %dma_wait3A_56 = arith.constant 9856 : i32
      %dma_wait3A_57 = tpu.memref_slice %arg8[%dma_wait3A_56] : memref<10080xi32, #tpu.memory_space<vmem>> -> memref<56xi32, #tpu.memory_space<vmem>>
      %dma_wait3A_58 = arith.constant 0 : i32
      %dma_wait3A_59 = arith.constant 0 : i32
      %dma_wait3A_60 = tpu.memref_slice %arg13[%dma_wait3A_58, %dma_wait3A_59] : memref<10240x128xf32, #tpu.memory_space<vmem_shared>> -> memref<10240x128xf32, #tpu.memory_space<vmem_shared>>
      tpu.wait_indirect_dma semaphore(%run_scoped3A : memref<!tpu.dma_semaphore, #tpu.memory_space<semaphore_mem>>) src(%arg9 : memref<56x128xf32, #tpu.memory_space<vmem>>) dst(%dma_wait3A_60 : memref<10240x128xf32, #tpu.memory_space<vmem_shared>>)
      tpu.yield
    }) : () -> ()
    %dma_wait3A_35 = arith.constant 0 : i32
    %dma_wait3A_36 = tpu.memref_slice %arg7[%dma_wait3A_35] : memref<10080xi32, #tpu.memory_space<vmem>> -> memref<56xi32, #tpu.memory_space<vmem>>
    %dma_wait3A_37 = arith.constant 0 : i32
    %dma_wait3A_38 = arith.constant 0 : i32
    %dma_wait3A_39 = tpu.memref_slice %arg4[%dma_wait3A_37, %dma_wait3A_38] : memref<20000x128xf32, #tpu.memory_space<hbm>> -> memref<20000x128xf32, #tpu.memory_space<hbm>>
    tpu.wait_indirect_dma semaphore(%arg15 : memref<!tpu.dma_semaphore, #tpu.memory_space<semaphore_mem>>) src(%dma_wait3A_39 : memref<20000x128xf32, #tpu.memory_space<hbm>>) dst(%arg10 : memref<56x128xf32, #tpu.memory_space<vmem>>)
    "tpu.region"() ({
      %run_scoped3A = tpu.sem_alloc : memref<!tpu.dma_semaphore, #tpu.memory_space<semaphore_mem>>
      %dma_start3A_51 = arith.constant 9912 : i32
      %dma_start3A_52 = tpu.memref_slice %arg8[%dma_start3A_51] : memref<10080xi32, #tpu.memory_space<vmem>> -> memref<56xi32, #tpu.memory_space<vmem>>
      %dma_start3A_53 = arith.constant 0 : i32
      %dma_start3A_54 = arith.constant 0 : i32
      %dma_start3A_55 = tpu.memref_slice %arg13[%dma_start3A_53, %dma_start3A_54] : memref<10240x128xf32, #tpu.memory_space<vmem_shared>> -> memref<10240x128xf32, #tpu.memory_space<vmem_shared>>
      tpu.enqueue_indirect_dma source(%arg10 : memref<56x128xf32, #tpu.memory_space<vmem>>) target(%dma_start3A_55 : memref<10240x128xf32, #tpu.memory_space<vmem_shared>>) offsets(%dma_start3A_52 : memref<56xi32, #tpu.memory_space<vmem>>) semaphore(%run_scoped3A : memref<!tpu.dma_semaphore, #tpu.memory_space<semaphore_mem>>) {add = true}
      %dma_wait3A_56 = arith.constant 9912 : i32
      %dma_wait3A_57 = tpu.memref_slice %arg8[%dma_wait3A_56] : memref<10080xi32, #tpu.memory_space<vmem>> -> memref<56xi32, #tpu.memory_space<vmem>>
      %dma_wait3A_58 = arith.constant 0 : i32
      %dma_wait3A_59 = arith.constant 0 : i32
      %dma_wait3A_60 = tpu.memref_slice %arg13[%dma_wait3A_58, %dma_wait3A_59] : memref<10240x128xf32, #tpu.memory_space<vmem_shared>> -> memref<10240x128xf32, #tpu.memory_space<vmem_shared>>
      tpu.wait_indirect_dma semaphore(%run_scoped3A : memref<!tpu.dma_semaphore, #tpu.memory_space<semaphore_mem>>) src(%arg10 : memref<56x128xf32, #tpu.memory_space<vmem>>) dst(%dma_wait3A_60 : memref<10240x128xf32, #tpu.memory_space<vmem_shared>>)
      tpu.yield
    }) : () -> ()
    %dma_wait3A_40 = arith.constant 0 : i32
    %dma_wait3A_41 = tpu.memref_slice %arg7[%dma_wait3A_40] : memref<10080xi32, #tpu.memory_space<vmem>> -> memref<56xi32, #tpu.memory_space<vmem>>
    %dma_wait3A_42 = arith.constant 0 : i32
    %dma_wait3A_43 = arith.constant 0 : i32
    %dma_wait3A_44 = tpu.memref_slice %arg4[%dma_wait3A_42, %dma_wait3A_43] : memref<20000x128xf32, #tpu.memory_space<hbm>> -> memref<20000x128xf32, #tpu.memory_space<hbm>>
    tpu.wait_indirect_dma semaphore(%arg16 : memref<!tpu.dma_semaphore, #tpu.memory_space<semaphore_mem>>) src(%dma_wait3A_44 : memref<20000x128xf32, #tpu.memory_space<hbm>>) dst(%arg11 : memref<56x128xf32, #tpu.memory_space<vmem>>)
    "tpu.region"() ({
      %run_scoped3A = tpu.sem_alloc : memref<!tpu.dma_semaphore, #tpu.memory_space<semaphore_mem>>
      %dma_start3A_51 = arith.constant 9968 : i32
      %dma_start3A_52 = tpu.memref_slice %arg8[%dma_start3A_51] : memref<10080xi32, #tpu.memory_space<vmem>> -> memref<56xi32, #tpu.memory_space<vmem>>
      %dma_start3A_53 = arith.constant 0 : i32
      %dma_start3A_54 = arith.constant 0 : i32
      %dma_start3A_55 = tpu.memref_slice %arg13[%dma_start3A_53, %dma_start3A_54] : memref<10240x128xf32, #tpu.memory_space<vmem_shared>> -> memref<10240x128xf32, #tpu.memory_space<vmem_shared>>
      tpu.enqueue_indirect_dma source(%arg11 : memref<56x128xf32, #tpu.memory_space<vmem>>) target(%dma_start3A_55 : memref<10240x128xf32, #tpu.memory_space<vmem_shared>>) offsets(%dma_start3A_52 : memref<56xi32, #tpu.memory_space<vmem>>) semaphore(%run_scoped3A : memref<!tpu.dma_semaphore, #tpu.memory_space<semaphore_mem>>) {add = true}
      %dma_wait3A_56 = arith.constant 9968 : i32
      %dma_wait3A_57 = tpu.memref_slice %arg8[%dma_wait3A_56] : memref<10080xi32, #tpu.memory_space<vmem>> -> memref<56xi32, #tpu.memory_space<vmem>>
      %dma_wait3A_58 = arith.constant 0 : i32
      %dma_wait3A_59 = arith.constant 0 : i32
      %dma_wait3A_60 = tpu.memref_slice %arg13[%dma_wait3A_58, %dma_wait3A_59] : memref<10240x128xf32, #tpu.memory_space<vmem_shared>> -> memref<10240x128xf32, #tpu.memory_space<vmem_shared>>
      tpu.wait_indirect_dma semaphore(%run_scoped3A : memref<!tpu.dma_semaphore, #tpu.memory_space<semaphore_mem>>) src(%arg11 : memref<56x128xf32, #tpu.memory_space<vmem>>) dst(%dma_wait3A_60 : memref<10240x128xf32, #tpu.memory_space<vmem_shared>>)
      tpu.yield
    }) : () -> ()
    %dma_wait3A_45 = arith.constant 0 : i32
    %dma_wait3A_46 = tpu.memref_slice %arg7[%dma_wait3A_45] : memref<10080xi32, #tpu.memory_space<vmem>> -> memref<56xi32, #tpu.memory_space<vmem>>
    %dma_wait3A_47 = arith.constant 0 : i32
    %dma_wait3A_48 = arith.constant 0 : i32
    %dma_wait3A_49 = tpu.memref_slice %arg4[%dma_wait3A_47, %dma_wait3A_48] : memref<20000x128xf32, #tpu.memory_space<hbm>> -> memref<20000x128xf32, #tpu.memory_space<hbm>>
    tpu.wait_indirect_dma semaphore(%arg17 : memref<!tpu.dma_semaphore, #tpu.memory_space<semaphore_mem>>) src(%dma_wait3A_49 : memref<20000x128xf32, #tpu.memory_space<hbm>>) dst(%arg12 : memref<56x128xf32, #tpu.memory_space<vmem>>)
    "tpu.region"() ({
      %run_scoped3A = tpu.sem_alloc : memref<!tpu.dma_semaphore, #tpu.memory_space<semaphore_mem>>
      %dma_start3A_51 = arith.constant 10024 : i32
      %dma_start3A_52 = tpu.memref_slice %arg8[%dma_start3A_51] : memref<10080xi32, #tpu.memory_space<vmem>> -> memref<56xi32, #tpu.memory_space<vmem>>
      %dma_start3A_53 = arith.constant 0 : i32
      %dma_start3A_54 = arith.constant 0 : i32
      %dma_start3A_55 = tpu.memref_slice %arg13[%dma_start3A_53, %dma_start3A_54] : memref<10240x128xf32, #tpu.memory_space<vmem_shared>> -> memref<10240x128xf32, #tpu.memory_space<vmem_shared>>
      tpu.enqueue_indirect_dma source(%arg12 : memref<56x128xf32, #tpu.memory_space<vmem>>) target(%dma_start3A_55 : memref<10240x128xf32, #tpu.memory_space<vmem_shared>>) offsets(%dma_start3A_52 : memref<56xi32, #tpu.memory_space<vmem>>) semaphore(%run_scoped3A : memref<!tpu.dma_semaphore, #tpu.memory_space<semaphore_mem>>) {add = true}
      %dma_wait3A_56 = arith.constant 10024 : i32
      %dma_wait3A_57 = tpu.memref_slice %arg8[%dma_wait3A_56] : memref<10080xi32, #tpu.memory_space<vmem>> -> memref<56xi32, #tpu.memory_space<vmem>>
      %dma_wait3A_58 = arith.constant 0 : i32
      %dma_wait3A_59 = arith.constant 0 : i32
      %dma_wait3A_60 = tpu.memref_slice %arg13[%dma_wait3A_58, %dma_wait3A_59] : memref<10240x128xf32, #tpu.memory_space<vmem_shared>> -> memref<10240x128xf32, #tpu.memory_space<vmem_shared>>
      tpu.wait_indirect_dma semaphore(%run_scoped3A : memref<!tpu.dma_semaphore, #tpu.memory_space<semaphore_mem>>) src(%arg12 : memref<56x128xf32, #tpu.memory_space<vmem>>) dst(%dma_wait3A_60 : memref<10240x128xf32, #tpu.memory_space<vmem_shared>>)
      tpu.yield
    }) : () -> ()
    %barrier3A_50 = arith.constant 0 : index
    tpu.barrier barrier_id(%barrier3A_50)
    "tpu.region"() ({
      %run_scoped3A = tpu.sem_alloc : memref<!tpu.dma_semaphore, #tpu.memory_space<semaphore_mem>>
      %dma_start3A_51 = arith.constant 0 : i32
      %dma_start3A_52 = tpu.memref_slice %arg6[%arg0, %mul3A_0, %dma_start3A_51] : memref<2x10240x128xf32, #tpu.memory_space<hbm>> -> memref<1x640x128xf32, #tpu.memory_space<hbm>>
      %dma_start3A_53 = tpu.memref_squeeze %dma_start3A_52 : memref<1x640x128xf32, #tpu.memory_space<hbm>> -> memref<640x128xf32, #tpu.memory_space<hbm>>
      %dma_start3A_54 = arith.constant 0 : i32
      %dma_start3A_55 = tpu.memref_slice %arg13[%mul3A_0, %dma_start3A_54] : memref<10240x128xf32, #tpu.memory_space<vmem_shared>> -> memref<640x128xf32, #tpu.memory_space<vmem_shared>>
      tpu.enqueue_dma source(%dma_start3A_55 : memref<640x128xf32, #tpu.memory_space<vmem_shared>>) target(%dma_start3A_53 : memref<640x128xf32, #tpu.memory_space<hbm>>) target_semaphore(%run_scoped3A : memref<!tpu.dma_semaphore, #tpu.memory_space<semaphore_mem>>)
      %dma_wait3A_56 = arith.constant 0 : i32
      %dma_wait3A_57 = tpu.memref_slice %arg6[%arg0, %mul3A_0, %dma_wait3A_56] : memref<2x10240x128xf32, #tpu.memory_space<hbm>> -> memref<1x640x128xf32, #tpu.memory_space<hbm>>
      %dma_wait3A_58 = tpu.memref_squeeze %dma_wait3A_57 : memref<1x640x128xf32, #tpu.memory_space<hbm>> -> memref<640x128xf32, #tpu.memory_space<hbm>>
      %dma_wait3A_59 = arith.constant 0 : i32
      %dma_wait3A_60 = tpu.memref_slice %arg13[%mul3A_0, %dma_wait3A_59] : memref<10240x128xf32, #tpu.memory_space<vmem_shared>> -> memref<640x128xf32, #tpu.memory_space<vmem_shared>>
      tpu.wait_dma2 semaphore(%run_scoped3A : memref<!tpu.dma_semaphore, #tpu.memory_space<semaphore_mem>>) src(%dma_wait3A_60 : memref<640x128xf32, #tpu.memory_space<vmem_shared>>) dst(%dma_wait3A_58 : memref<640x128xf32, #tpu.memory_space<hbm>>)
      tpu.yield
    }) : () -> ()
    return
  }
}

module attributes {stable_mosaic.version = 14 : i64} {
  func.func @body(%arg0: i32, %arg1: memref<400x256xf32, #tpu.memory_space<vmem>>, %arg2: memref<256x256xf32, #tpu.memory_space<vmem>>, %arg3: memref<400x256xf32, #tpu.memory_space<vmem>>) attributes {dimension_semantics = [#tpu.dimension_semantics<arbitrary>], iteration_bounds = array<i64: 25>, scalar_prefetch = 0 : i64, scratch_operands = 0 : i64, tpu.core_type = #tpu.core_type<tc>, window_params = [{transform_indices = @transform_0, window_bounds = array<i64: 400, 256>}, {pipeline_mode = #tpu.pipeline_mode<synchronous>, transform_indices = @transform_1, window_bounds = array<i64: 256, 256>}, {transform_indices = @transform_2, window_bounds = array<i64: 400, 256>}]} {
    %get3A = arith.constant 0 : index
    %get3A_0 = arith.constant 0 : index
    %get3A_1 = vector.load %arg1[%get3A, %get3A_0] : memref<400x256xf32, #tpu.memory_space<vmem>>, vector<400x256xf32>
    %get3A_2 = arith.constant 0 : index
    %get3A_3 = arith.constant 0 : index
    %get3A_4 = vector.load %arg2[%get3A_2, %get3A_3] : memref<256x256xf32, #tpu.memory_space<vmem>>, vector<256x256xf32>
    %dot_general3A = arith.constant dense<0.000000e+00> : vector<400x256xf32>
    %dot_general3A_5 = tpu.matmul %get3A_1, %get3A_4, %dot_general3A {dimension_numbers = #tpu.dot_dimension_numbers<[1], [0], [0], [1], [0, 0, 1, 1], [], []>, transpose_lhs_hint = false} : vector<400x256xf32>, vector<256x256xf32>, vector<400x256xf32> -> vector<400x256xf32>
    %swap3A = arith.constant 0 : index
    %swap3A_6 = arith.constant 0 : index
    %swap3A_7 = vector.load %arg3[%swap3A, %swap3A_6] : memref<400x256xf32, #tpu.memory_space<vmem>>, vector<400x256xf32>
    tpu.vector_store %arg3[%swap3A, %swap3A_6], %dot_general3A_5 {strides = array<i32>} : memref<400x256xf32, #tpu.memory_space<vmem>>, vector<400x256xf32>,
    return
  }
  func.func @transform_0(%arg0: i32) -> (i32, i32) {
    %c0_i32 = arith.constant 0 : i32
    %c0_i32_0 = arith.constant 0 : i32
    return %arg0, %c0_i32 : i32, i32
  }
  func.func @transform_1(%arg0: i32) -> (i32, i32) {
    %c0_i32 = arith.constant 0 : i32
    %c0_i32_0 = arith.constant 0 : i32
    %c0_i32_1 = arith.constant 0 : i32
    return %c0_i32, %c0_i32_0 : i32, i32
  }
  func.func @transform_2(%arg0: i32) -> (i32, i32) {
    %c0_i32 = arith.constant 0 : i32
    %c0_i32_0 = arith.constant 0 : i32
    return %arg0, %c0_i32 : i32, i32
  }
}

module attributes {stable_mosaic.version = 14 : i64} {
  func.func @body(%arg0: i32, %arg1: memref<400x256xf32, #tpu.memory_space<vmem>>, %arg2: memref<2x400x128xf32, #tpu.memory_space<vmem>>, %arg3: memref<2x400x128xf32, #tpu.memory_space<vmem>>) attributes {dimension_semantics = [#tpu.dimension_semantics<arbitrary>], iteration_bounds = array<i64: 25>, scalar_prefetch = 0 : i64, scratch_operands = 0 : i64, tpu.core_type = #tpu.core_type<tc>, window_params = [{transform_indices = @transform_0, window_bounds = array<i64: 400, 256>}, {transform_indices = @transform_1, window_bounds = array<i64: 2, 400, 128>}, {transform_indices = @transform_2, window_bounds = array<i64: 2, 400, 128>}]} {
    %get3A = arith.constant 0 : index
    %get3A_0 = arith.constant 0 : index
    %get3A_1 = arith.constant 0 : index
    %get3A_2 = vector.load %arg2[%get3A, %get3A_0, %get3A_1] : memref<2x400x128xf32, #tpu.memory_space<vmem>>, vector<1x400x1xf32>
    %get3A_3 = vector.shape_cast %get3A_2 : vector<1x400x1xf32> to vector<400x1xf32>
    %get3A_4 = arith.constant 1 : index
    %get3A_5 = arith.constant 0 : index
    %get3A_6 = arith.constant 0 : index
    %get3A_7 = vector.load %arg2[%get3A_4, %get3A_5, %get3A_6] : memref<2x400x128xf32, #tpu.memory_space<vmem>>, vector<1x400x1xf32>
    %get3A_8 = vector.shape_cast %get3A_7 : vector<1x400x1xf32> to vector<400x1xf32>
    %add3A = arith.addf %get3A_3, %get3A_8 : vector<400x1xf32>
    %gt3A = arith.constant 0.000000e+00 : f32
    %gt3A_9 = vector.broadcast %gt3A : f32 to vector<400x1xf32>
    %gt3A_10 = arith.cmpf ogt, %add3A, %gt3A_9 : vector<400x1xf32>
    %rsqrt3A = math.rsqrt %add3A : vector<400x1xf32>
    %jit3A = arith.constant 0.000000e+00 : f32
    %broadcast_in_dim3A = vector.broadcast %jit3A : f32 to vector<400x1xf32>
    %select_n3A = arith.select %gt3A_10, %rsqrt3A, %broadcast_in_dim3A : vector<400x1xi1>, vector<400x1xf32>
    %get3A_11 = arith.constant 0 : index
    %get3A_12 = arith.constant 0 : index
    %get3A_13 = vector.load %arg1[%get3A_11, %get3A_12] : memref<400x256xf32, #tpu.memory_space<vmem>>, vector<400x256xf32>
    %mul3A = vector.broadcast %select_n3A : vector<400x1xf32> to vector<400x256xf32>
    %mul3A_14 = arith.mulf %get3A_13, %mul3A : vector<400x256xf32>
    %slice3A = vector.extract_strided_slice %mul3A_14 {offsets = [0, 0], sizes = [400, 128], strides = [1, 1]} : vector<400x256xf32> to vector<400x128xf32>
    %swap3A = arith.constant 0 : index
    %swap3A_15 = arith.constant 0 : index
    %swap3A_16 = arith.constant 0 : index
    %swap3A_17 = vector.load %arg3[%swap3A, %swap3A_15, %swap3A_16] : memref<2x400x128xf32, #tpu.memory_space<vmem>>, vector<1x400x128xf32>
    %swap3A_18 = vector.shape_cast %swap3A_17 : vector<1x400x128xf32> to vector<400x128xf32>
    %swap3A_19 = vector.shape_cast %slice3A : vector<400x128xf32> to vector<1x400x128xf32>
    tpu.vector_store %arg3[%swap3A, %swap3A_15, %swap3A_16], %swap3A_19 {strides = array<i32>} : memref<2x400x128xf32, #tpu.memory_space<vmem>>, vector<1x400x128xf32>,
    %slice3A_20 = vector.extract_strided_slice %mul3A_14 {offsets = [0, 128], sizes = [400, 128], strides = [1, 1]} : vector<400x256xf32> to vector<400x128xf32>
    %swap3A_21 = arith.constant 1 : index
    %swap3A_22 = arith.constant 0 : index
    %swap3A_23 = arith.constant 0 : index
    %swap3A_24 = vector.load %arg3[%swap3A_21, %swap3A_22, %swap3A_23] : memref<2x400x128xf32, #tpu.memory_space<vmem>>, vector<1x400x128xf32>
    %swap3A_25 = vector.shape_cast %swap3A_24 : vector<1x400x128xf32> to vector<400x128xf32>
    %swap3A_26 = vector.shape_cast %slice3A_20 : vector<400x128xf32> to vector<1x400x128xf32>
    tpu.vector_store %arg3[%swap3A_21, %swap3A_22, %swap3A_23], %swap3A_26 {strides = array<i32>} : memref<2x400x128xf32, #tpu.memory_space<vmem>>, vector<1x400x128xf32>,
    return
  }
  func.func @transform_0(%arg0: i32) -> (i32, i32) {
    %c0_i32 = arith.constant 0 : i32
    %c0_i32_0 = arith.constant 0 : i32
    return %arg0, %c0_i32 : i32, i32
  }
  func.func @transform_1(%arg0: i32) -> (i32, i32, i32) {
    %c0_i32 = arith.constant 0 : i32
    %c0_i32_0 = arith.constant 0 : i32
    %c0_i32_1 = arith.constant 0 : i32
    return %c0_i32, %arg0, %c0_i32_0 : i32, i32, i32
  }
  func.func @transform_2(%arg0: i32) -> (i32, i32, i32) {
    %c0_i32 = arith.constant 0 : i32
    %c0_i32_0 = arith.constant 0 : i32
    %c0_i32_1 = arith.constant 0 : i32
    return %c0_i32, %arg0, %c0_i32_0 : i32, i32, i32
  }
}

module attributes {stable_mosaic.version = 14 : i64} {
  func.func @body(%arg0: i32, %arg1: memref<2x400x128xf32, #tpu.memory_space<vmem>>, %arg2: memref<2x400x128xf32, #tpu.memory_space<vmem>>, %arg3: memref<1x256xf32, #tpu.memory_space<vmem>>, %arg4: memref<256x256xf32, #tpu.memory_space<vmem>>, %arg5: memref<2x400x128xf32, #tpu.memory_space<vmem>>) attributes {dimension_semantics = [#tpu.dimension_semantics<arbitrary>], iteration_bounds = array<i64: 25>, scalar_prefetch = 0 : i64, scratch_operands = 0 : i64, tpu.core_type = #tpu.core_type<tc>, window_params = [{transform_indices = @transform_0, window_bounds = array<i64: 2, 400, 128>}, {transform_indices = @transform_1, window_bounds = array<i64: 2, 400, 128>}, {pipeline_mode = #tpu.pipeline_mode<synchronous>, transform_indices = @transform_2, window_bounds = array<i64: 1, 256>}, {pipeline_mode = #tpu.pipeline_mode<synchronous>, transform_indices = @transform_3, window_bounds = array<i64: 256, 256>}, {transform_indices = @transform_4, window_bounds = array<i64: 2, 400, 128>}]} {
    %get3A = arith.constant 0 : index
    %get3A_0 = arith.constant 0 : index
    %get3A_1 = arith.constant 0 : index
    %get3A_2 = vector.load %arg2[%get3A, %get3A_0, %get3A_1] : memref<2x400x128xf32, #tpu.memory_space<vmem>>, vector<1x400x1xf32>
    %get3A_3 = vector.shape_cast %get3A_2 : vector<1x400x1xf32> to vector<400x1xf32>
    %get3A_4 = arith.constant 1 : index
    %get3A_5 = arith.constant 0 : index
    %get3A_6 = arith.constant 0 : index
    %get3A_7 = vector.load %arg2[%get3A_4, %get3A_5, %get3A_6] : memref<2x400x128xf32, #tpu.memory_space<vmem>>, vector<1x400x1xf32>
    %get3A_8 = vector.shape_cast %get3A_7 : vector<1x400x1xf32> to vector<400x1xf32>
    %add3A = arith.addf %get3A_3, %get3A_8 : vector<400x1xf32>
    %gt3A = arith.constant 0.000000e+00 : f32
    %gt3A_9 = vector.broadcast %gt3A : f32 to vector<400x1xf32>
    %gt3A_10 = arith.cmpf ogt, %add3A, %gt3A_9 : vector<400x1xf32>
    %rsqrt3A = math.rsqrt %add3A : vector<400x1xf32>
    %jit3A = arith.constant 0.000000e+00 : f32
    %broadcast_in_dim3A = vector.broadcast %jit3A : f32 to vector<400x1xf32>
    %select_n3A = arith.select %gt3A_10, %rsqrt3A, %broadcast_in_dim3A : vector<400x1xi1>, vector<400x1xf32>
    %get3A_11 = arith.constant 0 : index
    %get3A_12 = arith.constant 0 : index
    %get3A_13 = arith.constant 0 : index
    %get3A_14 = vector.load %arg1[%get3A_11, %get3A_12, %get3A_13] : memref<2x400x128xf32, #tpu.memory_space<vmem>>, vector<1x400x128xf32>
    %get3A_15 = vector.shape_cast %get3A_14 : vector<1x400x128xf32> to vector<400x128xf32>
    %get3A_16 = arith.constant 1 : index
    %get3A_17 = arith.constant 0 : index
    %get3A_18 = arith.constant 0 : index
    %get3A_19 = vector.load %arg1[%get3A_16, %get3A_17, %get3A_18] : memref<2x400x128xf32, #tpu.memory_space<vmem>>, vector<1x400x128xf32>
    %get3A_20 = vector.shape_cast %get3A_19 : vector<1x400x128xf32> to vector<400x128xf32>
    %concatenate3A = tpu.concatenate %get3A_15, %get3A_20 in 1 : vector<400x128xf32>, vector<400x128xf32> -> vector<400x256xf32>
    %mul3A = vector.broadcast %select_n3A : vector<400x1xf32> to vector<400x256xf32>
    %mul3A_21 = arith.mulf %concatenate3A, %mul3A : vector<400x256xf32>
    %get3A_22 = arith.constant 0 : index
    %get3A_23 = arith.constant 0 : index
    %get3A_24 = vector.load %arg3[%get3A_22, %get3A_23] : memref<1x256xf32, #tpu.memory_space<vmem>>, vector<1x256xf32>
    %add3A_25 = vector.broadcast %get3A_24 : vector<1x256xf32> to vector<400x256xf32>
    %add3A_26 = arith.addf %mul3A_21, %add3A_25 : vector<400x256xf32>
    %max3A = arith.constant 0.000000e+00 : f32
    %max3A_27 = vector.broadcast %max3A : f32 to vector<400x256xf32>
    %max3A_28 = arith.maximumf %add3A_26, %max3A_27 : vector<400x256xf32>
    %get3A_29 = arith.constant 0 : index
    %get3A_30 = arith.constant 0 : index
    %get3A_31 = vector.load %arg4[%get3A_29, %get3A_30] : memref<256x256xf32, #tpu.memory_space<vmem>>, vector<256x256xf32>
    %dot_general3A = arith.constant dense<0.000000e+00> : vector<400x256xf32>
    %dot_general3A_32 = tpu.matmul %max3A_28, %get3A_31, %dot_general3A {dimension_numbers = #tpu.dot_dimension_numbers<[1], [0], [0], [1], [0, 0, 1, 1], [], []>, transpose_lhs_hint = false} : vector<400x256xf32>, vector<256x256xf32>, vector<400x256xf32> -> vector<400x256xf32>
    %mul3A_33 = vector.broadcast %select_n3A : vector<400x1xf32> to vector<400x256xf32>
    %mul3A_34 = arith.mulf %dot_general3A_32, %mul3A_33 : vector<400x256xf32>
    %slice3A = vector.extract_strided_slice %mul3A_34 {offsets = [0, 0], sizes = [400, 128], strides = [1, 1]} : vector<400x256xf32> to vector<400x128xf32>
    %swap3A = arith.constant 0 : index
    %swap3A_35 = arith.constant 0 : index
    %swap3A_36 = arith.constant 0 : index
    %swap3A_37 = vector.load %arg5[%swap3A, %swap3A_35, %swap3A_36] : memref<2x400x128xf32, #tpu.memory_space<vmem>>, vector<1x400x128xf32>
    %swap3A_38 = vector.shape_cast %swap3A_37 : vector<1x400x128xf32> to vector<400x128xf32>
    %swap3A_39 = vector.shape_cast %slice3A : vector<400x128xf32> to vector<1x400x128xf32>
    tpu.vector_store %arg5[%swap3A, %swap3A_35, %swap3A_36], %swap3A_39 {strides = array<i32>} : memref<2x400x128xf32, #tpu.memory_space<vmem>>, vector<1x400x128xf32>,
    %slice3A_40 = vector.extract_strided_slice %mul3A_34 {offsets = [0, 128], sizes = [400, 128], strides = [1, 1]} : vector<400x256xf32> to vector<400x128xf32>
    %swap3A_41 = arith.constant 1 : index
    %swap3A_42 = arith.constant 0 : index
    %swap3A_43 = arith.constant 0 : index
    %swap3A_44 = vector.load %arg5[%swap3A_41, %swap3A_42, %swap3A_43] : memref<2x400x128xf32, #tpu.memory_space<vmem>>, vector<1x400x128xf32>
    %swap3A_45 = vector.shape_cast %swap3A_44 : vector<1x400x128xf32> to vector<400x128xf32>
    %swap3A_46 = vector.shape_cast %slice3A_40 : vector<400x128xf32> to vector<1x400x128xf32>
    tpu.vector_store %arg5[%swap3A_41, %swap3A_42, %swap3A_43], %swap3A_46 {strides = array<i32>} : memref<2x400x128xf32, #tpu.memory_space<vmem>>, vector<1x400x128xf32>,
    return
  }
  func.func @transform_0(%arg0: i32) -> (i32, i32, i32) {
    %c0_i32 = arith.constant 0 : i32
    %c0_i32_0 = arith.constant 0 : i32
    %c0_i32_1 = arith.constant 0 : i32
    return %c0_i32, %arg0, %c0_i32_0 : i32, i32, i32
  }
  func.func @transform_1(%arg0: i32) -> (i32, i32, i32) {
    %c0_i32 = arith.constant 0 : i32
    %c0_i32_0 = arith.constant 0 : i32
    %c0_i32_1 = arith.constant 0 : i32
    return %c0_i32, %arg0, %c0_i32_0 : i32, i32, i32
  }
  func.func @transform_2(%arg0: i32) -> (i32, i32) {
    %c0_i32 = arith.constant 0 : i32
    %c0_i32_0 = arith.constant 0 : i32
    %c0_i32_1 = arith.constant 0 : i32
    return %c0_i32, %c0_i32_0 : i32, i32
  }
  func.func @transform_3(%arg0: i32) -> (i32, i32) {
    %c0_i32 = arith.constant 0 : i32
    %c0_i32_0 = arith.constant 0 : i32
    %c0_i32_1 = arith.constant 0 : i32
    return %c0_i32, %c0_i32_0 : i32, i32
  }
  func.func @transform_4(%arg0: i32) -> (i32, i32, i32) {
    %c0_i32 = arith.constant 0 : i32
    %c0_i32_0 = arith.constant 0 : i32
    %c0_i32_1 = arith.constant 0 : i32
    return %c0_i32, %arg0, %c0_i32_0 : i32, i32, i32
  }
}

module attributes {stable_mosaic.version = 14 : i64} {
  func.func @body(%arg0: i32, %arg1: memref<2x400x128xf32, #tpu.memory_space<vmem>>, %arg2: memref<2x400x128xf32, #tpu.memory_space<vmem>>, %arg3: memref<1x256xf32, #tpu.memory_space<vmem>>, %arg4: memref<400x256xf32, #tpu.memory_space<vmem>>) attributes {dimension_semantics = [#tpu.dimension_semantics<arbitrary>], iteration_bounds = array<i64: 25>, scalar_prefetch = 0 : i64, scratch_operands = 0 : i64, tpu.core_type = #tpu.core_type<tc>, window_params = [{transform_indices = @transform_0, window_bounds = array<i64: 2, 400, 128>}, {transform_indices = @transform_1, window_bounds = array<i64: 2, 400, 128>}, {pipeline_mode = #tpu.pipeline_mode<synchronous>, transform_indices = @transform_2, window_bounds = array<i64: 1, 256>}, {transform_indices = @transform_3, window_bounds = array<i64: 400, 256>}]} {
    %get3A = arith.constant 0 : index
    %get3A_0 = arith.constant 0 : index
    %get3A_1 = arith.constant 0 : index
    %get3A_2 = vector.load %arg2[%get3A, %get3A_0, %get3A_1] : memref<2x400x128xf32, #tpu.memory_space<vmem>>, vector<1x400x1xf32>
    %get3A_3 = vector.shape_cast %get3A_2 : vector<1x400x1xf32> to vector<400x1xf32>
    %get3A_4 = arith.constant 1 : index
    %get3A_5 = arith.constant 0 : index
    %get3A_6 = arith.constant 0 : index
    %get3A_7 = vector.load %arg2[%get3A_4, %get3A_5, %get3A_6] : memref<2x400x128xf32, #tpu.memory_space<vmem>>, vector<1x400x1xf32>
    %get3A_8 = vector.shape_cast %get3A_7 : vector<1x400x1xf32> to vector<400x1xf32>
    %add3A = arith.addf %get3A_3, %get3A_8 : vector<400x1xf32>
    %gt3A = arith.constant 0.000000e+00 : f32
    %gt3A_9 = vector.broadcast %gt3A : f32 to vector<400x1xf32>
    %gt3A_10 = arith.cmpf ogt, %add3A, %gt3A_9 : vector<400x1xf32>
    %rsqrt3A = math.rsqrt %add3A : vector<400x1xf32>
    %jit3A = arith.constant 0.000000e+00 : f32
    %broadcast_in_dim3A = vector.broadcast %jit3A : f32 to vector<400x1xf32>
    %select_n3A = arith.select %gt3A_10, %rsqrt3A, %broadcast_in_dim3A : vector<400x1xi1>, vector<400x1xf32>
    %get3A_11 = arith.constant 0 : index
    %get3A_12 = arith.constant 0 : index
    %get3A_13 = arith.constant 0 : index
    %get3A_14 = vector.load %arg1[%get3A_11, %get3A_12, %get3A_13] : memref<2x400x128xf32, #tpu.memory_space<vmem>>, vector<1x400x128xf32>
    %get3A_15 = vector.shape_cast %get3A_14 : vector<1x400x128xf32> to vector<400x128xf32>
    %get3A_16 = arith.constant 1 : index
    %get3A_17 = arith.constant 0 : index
    %get3A_18 = arith.constant 0 : index
    %get3A_19 = vector.load %arg1[%get3A_16, %get3A_17, %get3A_18] : memref<2x400x128xf32, #tpu.memory_space<vmem>>, vector<1x400x128xf32>
    %get3A_20 = vector.shape_cast %get3A_19 : vector<1x400x128xf32> to vector<400x128xf32>
    %concatenate3A = tpu.concatenate %get3A_15, %get3A_20 in 1 : vector<400x128xf32>, vector<400x128xf32> -> vector<400x256xf32>
    %mul3A = vector.broadcast %select_n3A : vector<400x1xf32> to vector<400x256xf32>
    %mul3A_21 = arith.mulf %concatenate3A, %mul3A : vector<400x256xf32>
    %get3A_22 = arith.constant 0 : index
    %get3A_23 = arith.constant 0 : index
    %get3A_24 = vector.load %arg3[%get3A_22, %get3A_23] : memref<1x256xf32, #tpu.memory_space<vmem>>, vector<1x256xf32>
    %add3A_25 = vector.broadcast %get3A_24 : vector<1x256xf32> to vector<400x256xf32>
    %add3A_26 = arith.addf %mul3A_21, %add3A_25 : vector<400x256xf32>
    %swap3A = arith.constant 0 : index
    %swap3A_27 = arith.constant 0 : index
    %swap3A_28 = vector.load %arg4[%swap3A, %swap3A_27] : memref<400x256xf32, #tpu.memory_space<vmem>>, vector<400x256xf32>
    tpu.vector_store %arg4[%swap3A, %swap3A_27], %add3A_26 {strides = array<i32>} : memref<400x256xf32, #tpu.memory_space<vmem>>, vector<400x256xf32>,
    return
  }
  func.func @transform_0(%arg0: i32) -> (i32, i32, i32) {
    %c0_i32 = arith.constant 0 : i32
    %c0_i32_0 = arith.constant 0 : i32
    %c0_i32_1 = arith.constant 0 : i32
    return %c0_i32, %arg0, %c0_i32_0 : i32, i32, i32
  }
  func.func @transform_1(%arg0: i32) -> (i32, i32, i32) {
    %c0_i32 = arith.constant 0 : i32
    %c0_i32_0 = arith.constant 0 : i32
    %c0_i32_1 = arith.constant 0 : i32
    return %c0_i32, %arg0, %c0_i32_0 : i32, i32, i32
  }
  func.func @transform_2(%arg0: i32) -> (i32, i32) {
    %c0_i32 = arith.constant 0 : i32
    %c0_i32_0 = arith.constant 0 : i32
    %c0_i32_1 = arith.constant 0 : i32
    return %c0_i32, %c0_i32_0 : i32, i32
  }
  func.func @transform_3(%arg0: i32) -> (i32, i32) {
    %c0_i32 = arith.constant 0 : i32
    %c0_i32_0 = arith.constant 0 : i32
    return %arg0, %c0_i32 : i32, i32
  }
}

</mosaic_0001>

<sc_bundles>
// kernel: kernel.12.cloned.1.call-start
scs
__scs_entry_jumppad:
0x0: {  	(pc) =	sbr.rel $0x88, $3  }
0x1: {  	(tag) =	ssettag $0x0;
	lr =	simm.s32 $0x1  }
0x2: {  	[smem:$0x3F9B] =	sst lr;
	_ =	strace $0xD0000000  }
0x3: {  	_ = 	snop  }
0x4: {  	_ = 	snop  }
0x5: {  	_ = 	snop  }
0x6: {  	_ = 	snop  }
0x7: {  	_ = 	snop  }
__scs_overlays_trampoline_lowered:
0x8: {  	[smem:$0x3FAA] =	sst s0  }
0x9: {  	[smem:$0x3FAB] =	sst s1  }
0xa: {  	[smem:$0x3FAC] =	sst s2  }
0xb: {  	[smem:$0x3FAD] =	sst s3  }
0xc: {  	[smem:$0x3FAE] =	sst s4  }
0xd: {  	[smem:$0x3FAF] =	sst s5  }
0xe: {  	[smem:$0x3FB0] =	sst s6  }
0xf: {  	[smem:$0x3FB1] =	sst s7  }
0x10: {  	[smem:$0x3FB2] =	sst s8  }
0x11: {  	[smem:$0x3FB3] =	sst s9;
	s0 =	simm.s32 @!p0 $0x0  }
0x12: {  	s1 =	sld [smem:$0x3F99];
	s0 =	simm.s32 @p0 $0x1  }
0x13: {  	[smem:$0x3FB4] =	sst s0;
	s0 =	simm.s32 @!p1 $0x0  }
0x14: {  	s2 =	sld [smem:$0x3F98];
	s0 =	simm.s32 @p1 $0x1  }
0x15: {  	[smem:$0x3FB5] =	sst s0;
	s0 =	simm.s32 @!p2 $0x0  }
0x16: {  	s3 =	sld [smem:$0x3FDB];
	s0 =	simm.s32 @p2 $0x1  }
0x17: {  	s4 =	simm.s32 $0x1BF5;
	[smem:$0x3FB7] =	sst s0  }
0x18: {  	s0 =	sld [smem:$0x3F9A];
	_ =	swait.ge [sflag:s4], $0x0  }
0x19: {  	s7 =	sld [smem:$0x3F9B]  }
0x1a: {  	s8 =	sadd.s32 $0xFFFFE003, lr  }
0x1b: {  	s9 =	sadd.s32 $0xFFFFFEF7, lr;
	s5 =	simm.s32 $0xFFFFFFFF;
	p2 =	slt.u32 s8, $0xFFFFF086  }
0x1c: {  	p1 =	slt.u32 s9, $0xF7A;
	s5 =	simm.s32 @!p2 $0x0  }
0x1d: {  	s5 =	simm.s32 @p1 $0x1;
	p0 =	seq.s32 s7, s2  }
0x1e: {  	s7 =	smul.u32 @!p0 $0xF7A, s2;
	p2 =	seq.s32 @!p0 s5, $0x0  }
0x1f: {  	s9 =	smul.u32 $0xF7A, s1;
	s8 =	simm.s32 @!p0 $0x1BF5;
	p2 =	por !p2, p0  }
0x20: {  	[sflag:s8] =	ssyncset.s32 @!p0 $0xFFFFF086;
	s6 =	sadd.s32 @!p0 s3, s7;
	s7 =	simm.s32 @!p0 $0x108  }
0x21: {  	s3 =	sadd.s32 s3, s9;
	s6 =	sadd.s32 @!p0 $0x88, s6;
	s7 =	simm.s32 @p2 $0x1082  }
0x22: {  	[simem:s7], [sflag:s8] =	dma.local @!p0 [hbm:s6], $0xF7A  }
0x23: {  	s9 =	sor.u32 $0xD0000000, s2;
	s6 =	simm.s32 $0x108;
	_ =	swait.ge @!p0 [sflag:s8], $0x0  }
0x24: {  	s3 =	sadd.s32 $0x88, s3;
	s6 =	simm.s32 @!p1 $0x1082;
	[sflag:s4] =	ssyncset.s32 $0xFFFFF086  }
0x25: {  	[simem:s6], [sflag:s4] =	dma.local [hbm:s3], $0xF7A  }
0x26: {  	[smem:$0x3F9B] =	sst s1;
	(tag) =	ssettag s2;
	_ =	strace s9  }
0x27: {  	s1 =	sld [smem:$0x3FAB]  }
0x28: {  	s2 =	sld [smem:$0x3FAC]  }
0x29: {  	s4 =	sld [smem:$0x3FAE]  }
0x2a: {  	p0 =	seq.s32 s5, $0x0;
	s5 =	sld [smem:$0x3FAF]  }
0x2b: {  	s6 =	sld [smem:$0x3FB0]  }
0x2c: {  	s7 =	sld [smem:$0x3FB1]  }
0x2d: {  	s3 =	simm.s32 $0x108;
	s8 =	sld [smem:$0x3FB2]  }
0x2e: {  	s3 =	simm.s32 @!p0 $0x1082;
	s9 =	sld [smem:$0x3FB3]  }
0x2f: {  	lr =	sadd.s32 s0, s3;
	s0 =	sld [smem:$0x3FAA]  }
0x30: {  	s3 =	sld [smem:$0x3FAD]  }
0x31: {  	[smem:$0x3FB6] =	sst s10  }
0x32: {  	s10 =	sld [smem:$0x3FB4];
	_ =	sdelay $0x3  }
0x33: {  	p0 =	seq.s32 s10, $0x1;
	s10 =	sld [smem:$0x3FB6];
	_ =	sdelay $0x3  }
0x34: {  	[smem:$0x3FB6] =	sst s10  }
0x35: {  	s10 =	sld [smem:$0x3FB5];
	_ =	sdelay $0x3  }
0x36: {  	p1 =	seq.s32 s10, $0x1;
	s10 =	sld [smem:$0x3FB6];
	_ =	sdelay $0x3  }
0x37: {  	[smem:$0x3FB6] =	sst s10  }
0x38: {  	s10 =	sld [smem:$0x3FB7]  }
0x39: {  	_ = 	snop;
	(pc) =	sbr.ind lr, $3  }
0x3a: {  	_ = 	snop  }
0x3b: {  	_ = 	snop  }
0x3c: {  	p2 =	seq.s32 s10, $0x1;
	s10 =	sld [smem:$0x3FB6]  }
0x3d: {  	_ =	shalt  }
0x3e: {  	_ =	shalt  }
0x3f: {  	_ =	shalt  }
0x40: {  	_ =	shalt  }
0x41: {  	_ =	shalt  }
0x42: {  	_ =	shalt  }
0x43: {  	_ =	shalt  }
0x44: {  	_ =	shalt  }
0x45: {  	_ =	shalt  }
0x46: {  	_ =	shalt  }
0x47: {  	_ =	shalt  }
0x48: {  	_ =	shalt  }
0x49: {  	_ =	shalt  }
0x4a: {  	_ =	shalt  }
0x4b: {  	_ =	shalt  }
0x4c: {  	_ =	shalt  }
0x4d: {  	_ =	shalt  }
0x4e: {  	_ =	shalt  }
0x4f: {  	_ =	shalt  }
0x50: {  	_ =	shalt  }
0x51: {  	_ =	shalt  }
0x52: {  	_ =	shalt  }
0x53: {  	_ =	shalt  }
0x54: {  	_ =	shalt  }
0x55: {  	_ =	shalt  }
0x56: {  	_ =	shalt  }
0x57: {  	_ =	shalt  }
0x58: {  	_ =	shalt  }
0x59: {  	_ =	shalt  }
0x5a: {  	_ =	shalt  }
0x5b: {  	_ =	shalt  }
0x5c: {  	_ =	shalt  }
0x5d: {  	_ =	shalt  }
0x5e: {  	_ =	shalt  }
0x5f: {  	_ =	shalt  }
0x60: {  	_ =	shalt  }
0x61: {  	_ =	shalt  }
0x62: {  	_ =	shalt  }
0x63: {  	_ =	shalt  }
0x64: {  	_ =	shalt  }
0x65: {  	_ =	shalt  }
0x66: {  	_ =	shalt  }
0x67: {  	_ =	shalt  }
0x68: {  	_ =	shalt  }
0x69: {  	_ =	shalt  }
0x6a: {  	_ =	shalt  }
0x6b: {  	_ =	shalt  }
0x6c: {  	_ =	shalt  }
0x6d: {  	_ =	shalt  }
0x6e: {  	_ =	shalt  }
0x6f: {  	_ =	shalt  }
0x70: {  	_ =	shalt  }
0x71: {  	_ =	shalt  }
0x72: {  	_ =	shalt  }
0x73: {  	_ =	shalt  }
0x74: {  	_ =	shalt  }
0x75: {  	_ =	shalt  }
0x76: {  	_ =	shalt  }
0x77: {  	_ =	shalt  }
0x78: {  	_ =	shalt  }
0x79: {  	_ =	shalt  }
0x7a: {  	_ =	shalt  }
0x7b: {  	_ =	shalt  }
0x7c: {  	_ =	shalt  }
0x7d: {  	_ =	shalt  }
0x7e: {  	_ =	shalt  }
0x7f: {  	_ =	shalt  }
0x80: {  	_ =	shalt  }
0x81: {  	_ =	shalt  }
0x82: {  	_ =	shalt  }
0x83: {  	_ =	shalt  }
0x84: {  	_ =	shalt  }
0x85: {  	_ =	shalt  }
0x86: {  	_ =	shalt  }
0x87: {  	_ =	shalt  }
.Lfunc_end0:
.L_simem_size_0:
called_computation.1_lowered:
.L_overlay_start_0:
0x88: {  	s2 =	sld [smem:$0x3FD9]  }
0x89: {  	s3 =	sld [smem:$0x3FFE];
	_ =	sdelay $0x1  }
0x8a: {  	s1 =	srdreg.scid  }
0x8b: {  	s0 =	sand.u32 $0x1, s1  }
0x8c: {  	s17 =	sshll.u32 s0, $0xA;
	s2 =	sadd.s32 s3, s2  }
0x8d: {  	s2 =	sadd.s32 s2, s17  }
0x8e: {  	[smem:$0x3FC2] =	sst s2  }
0x8f: {  	_ = 	snop  }
0x90: {  	s2 =	sld [smem:$0x3FD0];
	(tm) =	ssettm $0x1  }
0x91: {  	s18 =	sld [smem:$0x3FFB];
	_ =	sdelay $0x3  }
0x92: {  	_ =	strace s18  }
0x93: {  	s3 =	sld [smem:$0x3FFC];
	_ =	sdelay $0x3  }
0x94: {  	_ =	strace s3  }
0x95: {  	s3 =	sld [smem:$0x3FFD];
	_ =	sdelay $0x3  }
0x96: {  	_ =	strace s3  }
0x97: {  	_ =	strace $0x8FFFFFFF  }
0x98: {  	s19 =	sld [smem:$0x3FDB];
	_ =	sdelay $0x1  }
0x99: {  	s4 =	simm.s32 $_scs_section_size  }
0x9a: {  	s5 =	simm.s32 $_size__tile_overlayer_lowered;
	s6 =	simm.s32 $_tile_overlayer_lowered  }
0x9b: {  	s22 =	simm.s32 $0x1BFF;
	s21 =	sshll.u32 s6, $0x1;
	s3 =	sadd.s32 s4, s19  }
0x9c: {  	s7 =	simm.s32 $0x0;
	s20 =	sshll.u32 s5, $0x1;
	s5 =	sadd.s32 s21, s3  }
0x9d: {  	[timem:s7], [sflag:s22] =	dma.local [hbm:s5], s20  }
0x9e: {  	_ =	swait.ge [sflag:s22], s20  }
0x9f: {  	s4 =	ssub.s32 $0x0, s20;
	[sflag:s22] =	ssyncset.done $0x0  }
0xa0: {  	[sflag:s22] =	ssyncadd.s32 s4;
	_ =	sdelay $0x1  }
0xa1: {  	s23 =	simm.s32 $0x1B8B  }
0xa2: {  	_ =	swait.ge [sflag:s23], $0x1  }
0xa3: {  	[sflag:s23] =	ssyncset.done $0x0  }
0xa4: {  	s25 =	simm.s32 $0x1B8E;
	s24 =	sld [smem:$0x3FFE];
	[sflag:s23] =	ssyncadd.s32 $0xFFFFFFFF  }
0xa5: {  	s26 =	simm.s32 $execute0_lowered;
	[smem:$0x3FD2] =	sst s25  }
0xa6: {  	s5 =	sshll.u32 s26, $0x1;
	_ =	strace $0x80000049;
	[dreg:$0x1] =	wrdreg $0xFFFFFFFF  }
0xa7: {  	s28 =	simm.s32 $_size_execute0_lowered;
	s3 =	sadd.s32 s3, s5;
	[dreg:$0x0] =	wrdreg $0x0  }
0xa8: {  	s5 =	sshll.u32 s28, $0x1;
	[dreg:$0x2] =	wrdreg s3  }
0xa9: {  	[dreg:$0x3] =	wrdreg s5  }
0xaa: {  	[dreg:$0x4] =	wrdreg $0xC0  }
0xab: {  	_ =	task [dreg:s7], $0x5FFFF  }
0xac: {  	[dreg:$0x1] =	wrdreg $0xFFFFFFFF  }
0xad: {  	[dreg:$0x0] =	wrdreg $0x60  }
0xae: {  	[dreg:$0x2] =	wrdreg s24  }
0xaf: {  	[dreg:$0x3] =	wrdreg s2  }
0xb0: {  	[dreg:$0x4] =	wrdreg $0xBF000  }
0xb1: {  	[dreg:$0x5] =	wrdreg $0x9  }
0xb2: {  	_ =	task.clear_ibuf [dreg:s7], $0x6FFFF;
	_ =	strace $0x90000049  }
0xb3: {  	s29 =	simm.s32 $0x9;
	_ =	strace $0x8000004B  }
0xb4: {  	_ =	swait.ge [sflag:s29], $0x1  }
0xb5: {  	[sflag:s29] =	ssyncadd.s32 $0xFFFFFFFF  }
0xb6: {  	_ =	strace $0x9000004B  }
0xb7: {  	_ =	sfence  }
0xb8: {  	s30 =	sld [smem:$0x0];
	_ =	sdelay $0x2  }
0xb9: {  	s31 =	sshll.u32 s1, $0xD;
	s1 =	sshrl.u32 s1, $0x2  }
0xba: {  	s3 =	sand.u32 $0x4000, s31;
	s1 =	sadd.s32 s1, s30  }
0xbb: {  	s0 =	sor.u32 s3, s0;
	s1 =	sshll.u32 s1, $0x11  }
0xbc: {  	s0 =	sor.u32 s1, s0  }
0xbd: {  	s0 =	sadd.s32 $0x8F2B, s0  }
0xbe: {  	[sflag:s0] =	ssyncadd.remote.s32 $0x1  }
0xbf: {  	_ =	sfence.sel $0xFFFF  }
0xc0: {  	[dreg:$0x0] =	wrdreg $0xFFFFFFFF;
	(pc) =	sbr.abs _section_cstart, $3  }
0xc1: {  	[dreg:$0x1] =	wrdreg $0xFFFFFFFF  }
0xc2: {  	_ =	task.clear_ibuf [dreg:s7], $0x2FFFF;
	_ =	strace $0x9FFFFFFF  }
0xc3: {  	(tm) =	ssettm $0x7FFFFFFF  }
tec
execute0_lowered:
.L_overlay_start_1:
0x0: {  	(tag) =	ssettag $0x1  }
0x1: {  	s0 =	srdreg.scid  }
0x2: {  	s23 =	stileid.u32;
	s6 =	rddreg [dreg:$0x0];
	s4 =	simm.s32 $0x0  }
0x3: {  	s14 =	simm.s32 $0x38;
	s15 =	simm.s32 $0x4F00;
	s16 =	simm.s32 $0x6B00  }
0x4: {  	s17 =	simm.s32 $0x70;
	s18 =	simm.s32 $0x8700;
	s19 =	simm.s32 $0x1  }
0x5: {  	s20 =	simm.s32 $0xA300;
	s21 =	simm.s32 $0x2;
	s22 =	simm.s32 $0x3  }
0x6: {  	s28 =	simm.s32 $0x4E70;
	s29 =	simm.s32 $0x4EA8;
	s7 =	smul.u32 $0x4EC, s23  }
0x7: {  	s30 =	simm.s32 $0x0;
	s1 =	sand.u32 $0x1, s0;
	s9 =	smul.u32 $0x14000, s23  }
0x8: {  	[smem:$0x7FF] =	sst s4;
	s11 =	smul.u32 $0x50000, s23;
	s31 =	sshll.u32 s23, $0x6  }
0x9: {  	s2 =	sshll.u32 s1, $0x4;
	s8 =	smul.u32 $0x140000, s1;
	s1 =	ssub.s32 $0x2, s1  }
0xa: {  	s12 =	sor.u32 $0x1C05, s31;
	s3 =	sor.u32 s23, s2;
	s2 =	rddreg [dreg:$0x1]  }
0xb: {  	s7 =	sadd.s32 s7, s6;
	s25 =	sshrl.u32 s1, $0x1;
	s26 =	sshrl.u32 s11, $0x2  }
0xc: {  	s11 =	simm.s32 $0x2780;
	s23 =	simm.s32 $0x4;
	s5 =	smul.u32 $0x4EC, s3  }
0xd: {  	s3 =	rddreg [dreg:$0x2];
	_ =	strace $0x8000004A;
	s24 =	sadd.s32 s9, s8  }
0xe: {  	s1 =	ssub.s32 s1, s25;
	s7 =	sadd.s32 $0x55800, s7;
	s25 =	simm.s32 $0x4E00  }
0xf: {  	s8 =	sshrl.u32 s24, $0x3;
	s13 =	sadd.s32 s26, s3;
	s9 =	smax.u32 s1, $0x1  }
0x10: {  	s24 =	simm.s32 $0x2728;
	s26 =	simm.s32 $0x4E38;
	s10 =	sadd.s32 s5, s6  }
0x11: {  	s5 =	sadd.s32 $0x3000, s6;
	s8 =	sadd.s32 s8, s6;
	s13 =	sshrl.u32 s13, $0x3  }
0x12: {  	s6 =	sadd.s32 $0x5A800, s10;
	s8 =	sadd.s32 $0x64600, s8;
	s10 =	simm.s32 $0x5  }
.LBB2_1:
0x13: {  	[tilespmem:s4], [sflag:$0x5] =	stream.linear.gather [hbm4b:s6+s4], $0x2760, $0x38;
	[tilespmem:$0x1FF00] =	vst v63  }
0x14: {  	_ =	swait.ge [sflag:s10], $0x2760  }
0x15: {  	[sflag:s10] =	ssyncset.done $0x0  }
0x16: {  	[sflag:s10] =	ssyncadd.s32 $0xFFFFD8A0  }
0x17: {  	[tilespmem:s11], [sflag:$0x5] =	stream.linear.gather [hbm4b:s7+s4], $0x2760, $0x38;
	[tilespmem:$0x1FF00] =	vst v63  }
0x18: {  	_ =	swait.ge [sflag:s10], $0x2760  }
0x19: {  	[sflag:s10] =	ssyncset.done $0x0  }
0x1a: {  	[sflag:s10] =	ssyncadd.s32 $0xFFFFD8A0  }
0x1b: {  	[spmem:s13], [sflag:s12] =	dma.local [hbm:s5], $0x2800  }
0x1c: {  	_ =	swait.ge [sflag:s10], $0x2800  }
0x1d: {  	[sflag:s10] =	ssyncset.done $0x0  }
0x1e: {  	[sflag:s10] =	ssyncadd.s32 $0xFFFFD800  }
0x1f: {  	[tilespmem:s15], [sflag:$0x1] =	stream.indirect.gather [hbm4b:s2+s14], $0x80, s4, s14, $0xb8;
	[tilespmem:$0x1FF00] =	vst v63  }
0x20: {  	_ = 	snop  }
0x21: {  	[tilespmem:s16], [sflag:$0x2] =	stream.indirect.gather [hbm4b:s2+s14], $0x80, s14, s14, $0xb8;
	[tilespmem:$0x1FF00] =	vst v63  }
0x22: {  	_ = 	snop  }
0x23: {  	[tilespmem:s18], [sflag:$0x3] =	stream.indirect.gather [hbm4b:s2+s14], $0x80, s17, s14, $0xb8;
	[tilespmem:$0x1FF00] =	vst v63  }
0x24: {  	[bflag:$0x0] =	sbarrier.arrive $0xFFFF  }
0x25: {  	_ =	swait.ge [sflag:s19], $0x1C00  }
0x26: {  	[sflag:s19] =	ssyncset.done $0x0  }
0x27: {  	s1 =	simm.s32 $0xA8;
	[sflag:s19] =	ssyncadd.s32 $0xFFFFE400  }
0x28: {  	[tilespmem:s20], [sflag:$0x4] =	stream.indirect.gather [hbm4b:s2+s14], $0x80, s1, s14, $0xb8;
	[tilespmem:$0x1FF00] =	vst v63  }
0x29: {  	s0 =	simm.s32 $0x2780  }
0x2a: {  	[spmem:s3] =	stream.indirect.scatter.add.f32 [tilespmem:s15], [sflag:$0x5], $0x80, s0, s14, $0xb8;
	[tilespmem:$0x1FF00] =	vst v63  }
0x2b: {  	_ =	swait.ge [sflag:s10], $0x1C00  }
0x2c: {  	[sflag:s10] =	ssyncset.done $0x0  }
0x2d: {  	[sflag:s10] =	ssyncadd.s32 $0xFFFFE400  }
0x2e: {  	_ =	swait.ge [sflag:s21], $0x1C00  }
0x2f: {  	[sflag:s21] =	ssyncset.done $0x0  }
0x30: {  	s0 =	simm.s32 $0xE0;
	[sflag:s21] =	ssyncadd.s32 $0xFFFFE400  }
0x31: {  	[tilespmem:s15], [sflag:$0x1] =	stream.indirect.gather [hbm4b:s2+s14], $0x80, s0, s14, $0xb8;
	[tilespmem:$0x1FF00] =	vst v63  }
0x32: {  	s0 =	simm.s32 $0x27B8  }
0x33: {  	[spmem:s3] =	stream.indirect.scatter.add.f32 [tilespmem:s16], [sflag:$0x5], $0x80, s0, s14, $0xb8;
	[tilespmem:$0x1FF00] =	vst v63  }
0x34: {  	_ =	swait.ge [sflag:s10], $0x1C00  }
0x35: {  	[sflag:s10] =	ssyncset.done $0x0  }
0x36: {  	[sflag:s10] =	ssyncadd.s32 $0xFFFFE400  }
0x37: {  	_ =	swait.ge [sflag:s22], $0x1C00  }
0x38: {  	[sflag:s22] =	ssyncset.done $0x0  }
0x39: {  	s0 =	simm.s32 $0x118;
	[sflag:s22] =	ssyncadd.s32 $0xFFFFE400  }
0x3a: {  	[tilespmem:s16], [sflag:$0x2] =	stream.indirect.gather [hbm4b:s2+s14], $0x80, s0, s14, $0xb8;
	[tilespmem:$0x1FF00] =	vst v63  }
0x3b: {  	s0 =	simm.s32 $0x27F0  }
0x3c: {  	[spmem:s3] =	stream.indirect.scatter.add.f32 [tilespmem:s18], [sflag:$0x5], $0x80, s0, s14, $0xb8;
	[tilespmem:$0x1FF00] =	vst v63  }
0x3d: {  	_ =	swait.ge [sflag:s10], $0x1C00  }
0x3e: {  	[sflag:s10] =	ssyncset.done $0x0  }
0x3f: {  	[sflag:s10] =	ssyncadd.s32 $0xFFFFE400  }
0x40: {  	_ =	swait.ge [sflag:s23], $0x1C00  }
0x41: {  	[sflag:s23] =	ssyncset.done $0x0  }
0x42: {  	s0 =	simm.s32 $0x150;
	[sflag:s23] =	ssyncadd.s32 $0xFFFFE400  }
0x43: {  	[tilespmem:s18], [sflag:$0x3] =	stream.indirect.gather [hbm4b:s2+s14], $0x80, s0, s14, $0xb8;
	[tilespmem:$0x1FF00] =	vst v63  }
0x44: {  	s0 =	simm.s32 $0x2828  }
0x45: {  	[spmem:s3] =	stream.indirect.scatter.add.f32 [tilespmem:s20], [sflag:$0x5], $0x80, s0, s14, $0xb8;
	[tilespmem:$0x1FF00] =	vst v63  }
0x46: {  	_ =	swait.ge [sflag:s10], $0x1C00  }
0x47: {  	s31 =	simm.s32 $0x380;
	[sflag:s10] =	ssyncset.done $0x0  }
.LBB2_2:
0x48: {  	p0 =	sne.s32 s31, $0x9680  }
0x49: {  	[sflag:s10] =	ssyncadd.s32 $0xFFFFE400;
	s1 =	smov.u32 s31;
	s31 =	sadd.s32 $0x380, s31  }
0x4a: {  	_ = 	snop  }
0x4b: {  	_ =	swait.ge [sflag:s19], $0x1C00  }
0x4c: {  	s1 =	sshra.s32 s1, $0x2;
	[sflag:s19] =	ssyncset.done $0x0  }
0x4d: {  	s0 =	sadd.s32 $0xA8, s1;
	[sflag:s19] =	ssyncadd.s32 $0xFFFFE400  }
0x4e: {  	[tilespmem:s20], [sflag:$0x4] =	stream.indirect.gather [hbm4b:s2+s14], $0x80, s0, s14, $0xb8;
	[tilespmem:$0x1FF00] =	vst v63  }
0x4f: {  	s0 =	sadd.s32 $0x2780, s1  }
0x50: {  	[spmem:s3] =	stream.indirect.scatter.add.f32 [tilespmem:s15], [sflag:$0x5], $0x80, s0, s14, $0xb8;
	[tilespmem:$0x1FF00] =	vst v63  }
0x51: {  	_ =	swait.ge [sflag:s10], $0x1C00  }
0x52: {  	[sflag:s10] =	ssyncset.done $0x0  }
0x53: {  	[sflag:s10] =	ssyncadd.s32 $0xFFFFE400  }
0x54: {  	_ =	swait.ge [sflag:s21], $0x1C00  }
0x55: {  	[sflag:s21] =	ssyncset.done $0x0  }
0x56: {  	s0 =	sadd.s32 $0xE0, s1;
	[sflag:s21] =	ssyncadd.s32 $0xFFFFE400  }
0x57: {  	[tilespmem:s15], [sflag:$0x1] =	stream.indirect.gather [hbm4b:s2+s14], $0x80, s0, s14, $0xb8;
	[tilespmem:$0x1FF00] =	vst v63  }
0x58: {  	s0 =	sadd.s32 $0x27B8, s1  }
0x59: {  	[spmem:s3] =	stream.indirect.scatter.add.f32 [tilespmem:s16], [sflag:$0x5], $0x80, s0, s14, $0xb8;
	[tilespmem:$0x1FF00] =	vst v63  }
0x5a: {  	_ =	swait.ge [sflag:s10], $0x1C00  }
0x5b: {  	[sflag:s10] =	ssyncset.done $0x0  }
0x5c: {  	[sflag:s10] =	ssyncadd.s32 $0xFFFFE400  }
0x5d: {  	_ =	swait.ge [sflag:s22], $0x1C00  }
0x5e: {  	[sflag:s22] =	ssyncset.done $0x0  }
0x5f: {  	s0 =	sadd.s32 $0x118, s1;
	[sflag:s22] =	ssyncadd.s32 $0xFFFFE400  }
0x60: {  	[tilespmem:s16], [sflag:$0x2] =	stream.indirect.gather [hbm4b:s2+s14], $0x80, s0, s14, $0xb8;
	[tilespmem:$0x1FF00] =	vst v63  }
0x61: {  	s0 =	sadd.s32 $0x27F0, s1  }
0x62: {  	[spmem:s3] =	stream.indirect.scatter.add.f32 [tilespmem:s18], [sflag:$0x5], $0x80, s0, s14, $0xb8;
	[tilespmem:$0x1FF00] =	vst v63  }
0x63: {  	_ =	swait.ge [sflag:s10], $0x1C00  }
0x64: {  	[sflag:s10] =	ssyncset.done $0x0  }
0x65: {  	[sflag:s10] =	ssyncadd.s32 $0xFFFFE400  }
0x66: {  	_ =	swait.ge [sflag:s23], $0x1C00  }
0x67: {  	[sflag:s23] =	ssyncset.done $0x0  }
0x68: {  	s0 =	sadd.s32 $0x150, s1;
	[sflag:s23] =	ssyncadd.s32 $0xFFFFE400  }
0x69: {  	[tilespmem:s18], [sflag:$0x3] =	stream.indirect.gather [hbm4b:s2+s14], $0x80, s0, s14, $0xb8;
	[tilespmem:$0x1FF00] =	vst v63  }
.Ltmp0:
0x6a: {  	_ = 	snop;
	(pc) =	sbr.rel @p0 .LBB2_2-.Ltmp0, $4  }
0x6b: {  	s0 =	sadd.s32 $0x2828, s1  }
0x6c: {  	[spmem:s3] =	stream.indirect.scatter.add.f32 [tilespmem:s20], [sflag:$0x5], $0x80, s0, s14, $0xb8;
	[tilespmem:$0x1FF00] =	vst v63  }
0x6d: {  	_ =	swait.ge [sflag:s10], $0x1C00  }
0x6e: {  	[sflag:s10] =	ssyncset.done $0x0  }
0x6f: {  	[sflag:s10] =	ssyncadd.s32 $0xFFFFE400  }
0x70: {  	_ =	swait.ge [sflag:s19], $0x1C00  }
0x71: {  	[sflag:s19] =	ssyncset.done $0x0  }
0x72: {  	[sflag:s19] =	ssyncadd.s32 $0xFFFFE400  }
0x73: {  	[tilespmem:s20], [sflag:$0x4] =	stream.indirect.gather [hbm4b:s2+s14], $0x80, s24, s14, $0xb8;
	[tilespmem:$0x1FF00] =	vst v63  }
0x74: {  	_ = 	snop  }
0x75: {  	[spmem:s3] =	stream.indirect.scatter.add.f32 [tilespmem:s15], [sflag:$0x5], $0x80, s25, s14, $0xb8;
	[tilespmem:$0x1FF00] =	vst v63  }
0x76: {  	_ =	swait.ge [sflag:s10], $0x1C00  }
0x77: {  	[sflag:s10] =	ssyncset.done $0x0  }
0x78: {  	[sflag:s10] =	ssyncadd.s32 $0xFFFFE400  }
0x79: {  	_ =	swait.ge [sflag:s21], $0x1C00  }
0x7a: {  	[sflag:s21] =	ssyncset.done $0x0  }
0x7b: {  	[sflag:s21] =	ssyncadd.s32 $0xFFFFE400  }
0x7c: {  	[spmem:s3] =	stream.indirect.scatter.add.f32 [tilespmem:s16], [sflag:$0x5], $0x80, s26, s14, $0xb8;
	[tilespmem:$0x1FF00] =	vst v63  }
0x7d: {  	_ =	swait.ge [sflag:s10], $0x1C00  }
0x7e: {  	[sflag:s10] =	ssyncset.done $0x0  }
0x7f: {  	[sflag:s10] =	ssyncadd.s32 $0xFFFFE400  }
0x80: {  	_ =	swait.ge [sflag:s22], $0x1C00  }
0x81: {  	[sflag:s22] =	ssyncset.done $0x0  }
0x82: {  	[sflag:s22] =	ssyncadd.s32 $0xFFFFE400  }
0x83: {  	[spmem:s3] =	stream.indirect.scatter.add.f32 [tilespmem:s18], [sflag:$0x5], $0x80, s28, s14, $0xb8;
	[tilespmem:$0x1FF00] =	vst v63  }
0x84: {  	_ =	swait.ge [sflag:s10], $0x1C00  }
0x85: {  	[sflag:s10] =	ssyncset.done $0x0  }
0x86: {  	[sflag:s10] =	ssyncadd.s32 $0xFFFFE400  }
0x87: {  	_ =	swait.ge [sflag:s23], $0x1C00  }
0x88: {  	[sflag:s23] =	ssyncset.done $0x0  }
0x89: {  	[sflag:s23] =	ssyncadd.s32 $0xFFFFE400  }
0x8a: {  	[spmem:s3] =	stream.indirect.scatter.add.f32 [tilespmem:s20], [sflag:$0x5], $0x80, s29, s14, $0xb8;
	[tilespmem:$0x1FF00] =	vst v63  }
0x8b: {  	_ =	swait.ge [sflag:s10], $0x1C00  }
0x8c: {  	s30 =	sadd.s32 $0x1, s30;
	[sflag:s10] =	ssyncset.done $0x0  }
0x8d: {  	p0 =	sne.s32 s30, s9;
	[sflag:s10] =	ssyncadd.s32 $0xFFFFE400  }
.Ltmp1:
0x8e: {  	[bflag:$0x0] =	sbarrier.arrive $0xFFFF;
	(pc) =	sbr.rel @p0 .LBB2_1-.Ltmp1, $4  }
0x8f: {  	[hbm:s8], [sflag:s12] =	dma.local [spmem:s13], $0x2800  }
0x90: {  	_ =	swait.ge [sflag:s10], $0x2800  }
0x91: {  	[sflag:s10] =	ssyncset.done $0x0  }
0x92: {  	[sflag:s10] =	ssyncadd.s32 $0xFFFFD800  }
0x93: {  	_ =	sfence.sel $0x180000  }
0x94: {  	[bflag:$0x0] =	sbarrier.arrive $0xFFFF  }
0x95: {  	_ =	strace $0x9000004A  }
0x96: {  	s0 =	stileid.u32;
	[bflag:$0x2] =	sbarrier.arrive $0xFFFF  }
0x97: {  	p0 =	sne.s32 s0, $0x0;
	s0 =	rddreg [dreg:$0x3]  }
0x98: {  	s0 =	sadd.s32 @!p0 $0x100000, s0  }
0x99: {  	[sflag:s0] =	ssyncadd.tile.s32 @!p0 $0x1;
	_ =	shalt  }
.Lfunc_end2:
_tile_overlayer_lowered:
.L_overlay_start_2:
0x9a: {  	(tag) =	ssettag $0x2  }
0x9b: {  	s0 =	rddreg [dreg:$0x0];
	s2 =	stileid.u32  }
0x9c: {  	s1 =	rddreg [dreg:$0x1];
	p0 =	sne.s32 s2, $0x0  }
0x9d: {  	s3 =	rddreg [dreg:$0x2];
	[bflag:$0x3] =	sbarrier.arrive $0xFFFF;
	s2 =	simm.s32 @!p0 $0x1C05  }
0x9e: {  	[timem:s3], [sflag:s2] =	dma.local @!p0 [hbm:s0], s1  }
0x9f: {  	s0 =	simm.s32 @!p0 $0x5  }
0xa0: {  	_ =	swait.ge @!p0 [sflag:s0], s1  }
0xa1: {  	s1 =	ssub.s32 @!p0 $0x0, s1;
	[sflag:s0] =	ssyncset.done @!p0 $0x0  }
0xa2: {  	[sflag:s0] =	ssyncadd.s32 @!p0 s1  }
0xa3: {  	[bflag:$0x3] =	sbarrier.arrive $0xFFFF  }
0xa4: {  	_ =	shalt  }

// kernel: kernel.15.cloned.1.call-start
scs
__scs_entry_jumppad:
0x0: {  	(pc) =	sbr.rel $0x88, $3  }
0x1: {  	(tag) =	ssettag $0x0;
	lr =	simm.s32 $0x1  }
0x2: {  	[smem:$0x3F9B] =	sst lr;
	_ =	strace $0xD0000000  }
0x3: {  	_ = 	snop  }
0x4: {  	_ = 	snop  }
0x5: {  	_ = 	snop  }
0x6: {  	_ = 	snop  }
0x7: {  	_ = 	snop  }
__scs_overlays_trampoline_lowered:
0x8: {  	[smem:$0x3FAA] =	sst s0  }
0x9: {  	[smem:$0x3FAB] =	sst s1  }
0xa: {  	[smem:$0x3FAC] =	sst s2  }
0xb: {  	[smem:$0x3FAD] =	sst s3  }
0xc: {  	[smem:$0x3FAE] =	sst s4  }
0xd: {  	[smem:$0x3FAF] =	sst s5  }
0xe: {  	[smem:$0x3FB0] =	sst s6  }
0xf: {  	[smem:$0x3FB1] =	sst s7  }
0x10: {  	[smem:$0x3FB2] =	sst s8  }
0x11: {  	[smem:$0x3FB3] =	sst s9;
	s0 =	simm.s32 @!p0 $0x0  }
0x12: {  	s1 =	sld [smem:$0x3F99];
	s0 =	simm.s32 @p0 $0x1  }
0x13: {  	[smem:$0x3FB4] =	sst s0;
	s0 =	simm.s32 @!p1 $0x0  }
0x14: {  	s2 =	sld [smem:$0x3F98];
	s0 =	simm.s32 @p1 $0x1  }
0x15: {  	[smem:$0x3FB5] =	sst s0;
	s0 =	simm.s32 @!p2 $0x0  }
0x16: {  	s3 =	sld [smem:$0x3FDB];
	s0 =	simm.s32 @p2 $0x1  }
0x17: {  	s4 =	simm.s32 $0x1BF5;
	[smem:$0x3FB7] =	sst s0  }
0x18: {  	s0 =	sld [smem:$0x3F9A];
	_ =	swait.ge [sflag:s4], $0x0  }
0x19: {  	s7 =	sld [smem:$0x3F9B]  }
0x1a: {  	s8 =	sadd.s32 $0xFFFFE003, lr  }
0x1b: {  	s9 =	sadd.s32 $0xFFFFFEF7, lr;
	s5 =	simm.s32 $0xFFFFFFFF;
	p2 =	slt.u32 s8, $0xFFFFF086  }
0x1c: {  	p1 =	slt.u32 s9, $0xF7A;
	s5 =	simm.s32 @!p2 $0x0  }
0x1d: {  	s5 =	simm.s32 @p1 $0x1;
	p0 =	seq.s32 s7, s2  }
0x1e: {  	s7 =	smul.u32 @!p0 $0xF7A, s2;
	p2 =	seq.s32 @!p0 s5, $0x0  }
0x1f: {  	s9 =	smul.u32 $0xF7A, s1;
	s8 =	simm.s32 @!p0 $0x1BF5;
	p2 =	por !p2, p0  }
0x20: {  	[sflag:s8] =	ssyncset.s32 @!p0 $0xFFFFF086;
	s6 =	sadd.s32 @!p0 s3, s7;
	s7 =	simm.s32 @!p0 $0x108  }
0x21: {  	s3 =	sadd.s32 s3, s9;
	s6 =	sadd.s32 @!p0 $0x88, s6;
	s7 =	simm.s32 @p2 $0x1082  }
0x22: {  	[simem:s7], [sflag:s8] =	dma.local @!p0 [hbm:s6], $0xF7A  }
0x23: {  	s9 =	sor.u32 $0xD0000000, s2;
	s6 =	simm.s32 $0x108;
	_ =	swait.ge @!p0 [sflag:s8], $0x0  }
0x24: {  	s3 =	sadd.s32 $0x88, s3;
	s6 =	simm.s32 @!p1 $0x1082;
	[sflag:s4] =	ssyncset.s32 $0xFFFFF086  }
0x25: {  	[simem:s6], [sflag:s4] =	dma.local [hbm:s3], $0xF7A  }
0x26: {  	[smem:$0x3F9B] =	sst s1;
	(tag) =	ssettag s2;
	_ =	strace s9  }
0x27: {  	s1 =	sld [smem:$0x3FAB]  }
0x28: {  	s2 =	sld [smem:$0x3FAC]  }
0x29: {  	s4 =	sld [smem:$0x3FAE]  }
0x2a: {  	p0 =	seq.s32 s5, $0x0;
	s5 =	sld [smem:$0x3FAF]  }
0x2b: {  	s6 =	sld [smem:$0x3FB0]  }
0x2c: {  	s7 =	sld [smem:$0x3FB1]  }
0x2d: {  	s3 =	simm.s32 $0x108;
	s8 =	sld [smem:$0x3FB2]  }
0x2e: {  	s3 =	simm.s32 @!p0 $0x1082;
	s9 =	sld [smem:$0x3FB3]  }
0x2f: {  	lr =	sadd.s32 s0, s3;
	s0 =	sld [smem:$0x3FAA]  }
0x30: {  	s3 =	sld [smem:$0x3FAD]  }
0x31: {  	[smem:$0x3FB6] =	sst s10  }
0x32: {  	s10 =	sld [smem:$0x3FB4];
	_ =	sdelay $0x3  }
0x33: {  	p0 =	seq.s32 s10, $0x1;
	s10 =	sld [smem:$0x3FB6];
	_ =	sdelay $0x3  }
0x34: {  	[smem:$0x3FB6] =	sst s10  }
0x35: {  	s10 =	sld [smem:$0x3FB5];
	_ =	sdelay $0x3  }
0x36: {  	p1 =	seq.s32 s10, $0x1;
	s10 =	sld [smem:$0x3FB6];
	_ =	sdelay $0x3  }
0x37: {  	[smem:$0x3FB6] =	sst s10  }
0x38: {  	s10 =	sld [smem:$0x3FB7]  }
0x39: {  	_ = 	snop;
	(pc) =	sbr.ind lr, $3  }
0x3a: {  	_ = 	snop  }
0x3b: {  	_ = 	snop  }
0x3c: {  	p2 =	seq.s32 s10, $0x1;
	s10 =	sld [smem:$0x3FB6]  }
0x3d: {  	_ =	shalt  }
0x3e: {  	_ =	shalt  }
0x3f: {  	_ =	shalt  }
0x40: {  	_ =	shalt  }
0x41: {  	_ =	shalt  }
0x42: {  	_ =	shalt  }
0x43: {  	_ =	shalt  }
0x44: {  	_ =	shalt  }
0x45: {  	_ =	shalt  }
0x46: {  	_ =	shalt  }
0x47: {  	_ =	shalt  }
0x48: {  	_ =	shalt  }
0x49: {  	_ =	shalt  }
0x4a: {  	_ =	shalt  }
0x4b: {  	_ =	shalt  }
0x4c: {  	_ =	shalt  }
0x4d: {  	_ =	shalt  }
0x4e: {  	_ =	shalt  }
0x4f: {  	_ =	shalt  }
0x50: {  	_ =	shalt  }
0x51: {  	_ =	shalt  }
0x52: {  	_ =	shalt  }
0x53: {  	_ =	shalt  }
0x54: {  	_ =	shalt  }
0x55: {  	_ =	shalt  }
0x56: {  	_ =	shalt  }
0x57: {  	_ =	shalt  }
0x58: {  	_ =	shalt  }
0x59: {  	_ =	shalt  }
0x5a: {  	_ =	shalt  }
0x5b: {  	_ =	shalt  }
0x5c: {  	_ =	shalt  }
0x5d: {  	_ =	shalt  }
0x5e: {  	_ =	shalt  }
0x5f: {  	_ =	shalt  }
0x60: {  	_ =	shalt  }
0x61: {  	_ =	shalt  }
0x62: {  	_ =	shalt  }
0x63: {  	_ =	shalt  }
0x64: {  	_ =	shalt  }
0x65: {  	_ =	shalt  }
0x66: {  	_ =	shalt  }
0x67: {  	_ =	shalt  }
0x68: {  	_ =	shalt  }
0x69: {  	_ =	shalt  }
0x6a: {  	_ =	shalt  }
0x6b: {  	_ =	shalt  }
0x6c: {  	_ =	shalt  }
0x6d: {  	_ =	shalt  }
0x6e: {  	_ =	shalt  }
0x6f: {  	_ =	shalt  }
0x70: {  	_ =	shalt  }
0x71: {  	_ =	shalt  }
0x72: {  	_ =	shalt  }
0x73: {  	_ =	shalt  }
0x74: {  	_ =	shalt  }
0x75: {  	_ =	shalt  }
0x76: {  	_ =	shalt  }
0x77: {  	_ =	shalt  }
0x78: {  	_ =	shalt  }
0x79: {  	_ =	shalt  }
0x7a: {  	_ =	shalt  }
0x7b: {  	_ =	shalt  }
0x7c: {  	_ =	shalt  }
0x7d: {  	_ =	shalt  }
0x7e: {  	_ =	shalt  }
0x7f: {  	_ =	shalt  }
0x80: {  	_ =	shalt  }
0x81: {  	_ =	shalt  }
0x82: {  	_ =	shalt  }
0x83: {  	_ =	shalt  }
0x84: {  	_ =	shalt  }
0x85: {  	_ =	shalt  }
0x86: {  	_ =	shalt  }
0x87: {  	_ =	shalt  }
.Lfunc_end0:
.L_simem_size_0:
called_computation.2_lowered:
.L_overlay_start_0:
0x88: {  	s2 =	sld [smem:$0x3FD9]  }
0x89: {  	s3 =	sld [smem:$0x3FFE];
	_ =	sdelay $0x1  }
0x8a: {  	s1 =	srdreg.scid  }
0x8b: {  	s0 =	sand.u32 $0x1, s1  }
0x8c: {  	s17 =	sshll.u32 s0, $0xA;
	s2 =	sadd.s32 s3, s2  }
0x8d: {  	s2 =	sadd.s32 s2, s17  }
0x8e: {  	[smem:$0x3FC2] =	sst s2  }
0x8f: {  	_ = 	snop  }
0x90: {  	s2 =	sld [smem:$0x3FD0];
	(tm) =	ssettm $0x1  }
0x91: {  	s18 =	sld [smem:$0x3FFB];
	_ =	sdelay $0x3  }
0x92: {  	_ =	strace s18  }
0x93: {  	s3 =	sld [smem:$0x3FFC];
	_ =	sdelay $0x3  }
0x94: {  	_ =	strace s3  }
0x95: {  	s3 =	sld [smem:$0x3FFD];
	_ =	sdelay $0x3  }
0x96: {  	_ =	strace s3  }
0x97: {  	_ =	strace $0x8FFFFFFF  }
0x98: {  	s19 =	sld [smem:$0x3FDB];
	_ =	sdelay $0x1  }
0x99: {  	s4 =	simm.s32 $_scs_section_size  }
0x9a: {  	s5 =	simm.s32 $_size__tile_overlayer_lowered;
	s6 =	simm.s32 $_tile_overlayer_lowered  }
0x9b: {  	s22 =	simm.s32 $0x1BFF;
	s21 =	sshll.u32 s6, $0x1;
	s3 =	sadd.s32 s4, s19  }
0x9c: {  	s7 =	simm.s32 $0x0;
	s20 =	sshll.u32 s5, $0x1;
	s5 =	sadd.s32 s21, s3  }
0x9d: {  	[timem:s7], [sflag:s22] =	dma.local [hbm:s5], s20  }
0x9e: {  	_ =	swait.ge [sflag:s22], s20  }
0x9f: {  	s4 =	ssub.s32 $0x0, s20;
	[sflag:s22] =	ssyncset.done $0x0  }
0xa0: {  	[sflag:s22] =	ssyncadd.s32 s4;
	_ =	sdelay $0x1  }
0xa1: {  	s23 =	simm.s32 $0x1B8B  }
0xa2: {  	_ =	swait.ge [sflag:s23], $0x1  }
0xa3: {  	[sflag:s23] =	ssyncset.done $0x0  }
0xa4: {  	s25 =	simm.s32 $0x1B8E;
	s24 =	sld [smem:$0x3FFE];
	[sflag:s23] =	ssyncadd.s32 $0xFFFFFFFF  }
0xa5: {  	s26 =	simm.s32 $execute0_lowered;
	[smem:$0x3FD2] =	sst s25  }
0xa6: {  	s5 =	sshll.u32 s26, $0x1;
	_ =	strace $0x8000004C;
	[dreg:$0x1] =	wrdreg $0xFFFFFFFF  }
0xa7: {  	s28 =	simm.s32 $_size_execute0_lowered;
	s3 =	sadd.s32 s3, s5;
	[dreg:$0x0] =	wrdreg $0x0  }
0xa8: {  	s5 =	sshll.u32 s28, $0x1;
	[dreg:$0x2] =	wrdreg s3  }
0xa9: {  	[dreg:$0x3] =	wrdreg s5  }
0xaa: {  	[dreg:$0x4] =	wrdreg $0xC0  }
0xab: {  	_ =	task [dreg:s7], $0x5FFFF  }
0xac: {  	[dreg:$0x1] =	wrdreg $0xFFFFFFFF  }
0xad: {  	[dreg:$0x0] =	wrdreg $0x60  }
0xae: {  	[dreg:$0x2] =	wrdreg s24  }
0xaf: {  	[dreg:$0x3] =	wrdreg s2  }
0xb0: {  	[dreg:$0x4] =	wrdreg $0xBF000  }
0xb1: {  	[dreg:$0x5] =	wrdreg $0x9  }
0xb2: {  	_ =	task.clear_ibuf [dreg:s7], $0x6FFFF;
	_ =	strace $0x9000004C  }
0xb3: {  	s29 =	simm.s32 $0x9;
	_ =	strace $0x8000004E  }
0xb4: {  	_ =	swait.ge [sflag:s29], $0x1  }
0xb5: {  	[sflag:s29] =	ssyncadd.s32 $0xFFFFFFFF  }
0xb6: {  	_ =	strace $0x9000004E  }
0xb7: {  	_ =	sfence  }
0xb8: {  	s30 =	sld [smem:$0x0];
	_ =	sdelay $0x2  }
0xb9: {  	s31 =	sshll.u32 s1, $0xD;
	s1 =	sshrl.u32 s1, $0x2  }
0xba: {  	s3 =	sand.u32 $0x4000, s31;
	s1 =	sadd.s32 s1, s30  }
0xbb: {  	s0 =	sor.u32 s3, s0;
	s1 =	sshll.u32 s1, $0x11  }
0xbc: {  	s0 =	sor.u32 s1, s0  }
0xbd: {  	s0 =	sadd.s32 $0x8F2B, s0  }
0xbe: {  	[sflag:s0] =	ssyncadd.remote.s32 $0x1  }
0xbf: {  	_ =	sfence.sel $0xFFFF  }
0xc0: {  	[dreg:$0x0] =	wrdreg $0xFFFFFFFF;
	(pc) =	sbr.abs _section_cstart, $3  }
0xc1: {  	[dreg:$0x1] =	wrdreg $0xFFFFFFFF  }
0xc2: {  	_ =	task.clear_ibuf [dreg:s7], $0x2FFFF;
	_ =	strace $0x9FFFFFFF  }
0xc3: {  	(tm) =	ssettm $0x7FFFFFFF  }
tec
execute0_lowered:
.L_overlay_start_1:
0x0: {  	(tag) =	ssettag $0x1  }
0x1: {  	s0 =	srdreg.scid  }
0x2: {  	s23 =	stileid.u32;
	s6 =	rddreg [dreg:$0x0];
	s4 =	simm.s32 $0x0  }
0x3: {  	s14 =	simm.s32 $0x38;
	s15 =	simm.s32 $0x4F00;
	s16 =	simm.s32 $0x6B00  }
0x4: {  	s17 =	simm.s32 $0x70;
	s18 =	simm.s32 $0x8700;
	s19 =	simm.s32 $0x1  }
0x5: {  	s20 =	simm.s32 $0xA300;
	s21 =	simm.s32 $0x2;
	s22 =	simm.s32 $0x3  }
0x6: {  	s28 =	simm.s32 $0x4E70;
	s29 =	simm.s32 $0x4EA8;
	s7 =	smul.u32 $0x4EC, s23  }
0x7: {  	s30 =	simm.s32 $0x0;
	s1 =	sand.u32 $0x1, s0;
	s9 =	smul.u32 $0x14000, s23  }
0x8: {  	[smem:$0x7FF] =	sst s4;
	s11 =	smul.u32 $0x50000, s23;
	s31 =	sshll.u32 s23, $0x6  }
0x9: {  	s2 =	sshll.u32 s1, $0x4;
	s8 =	smul.u32 $0x140000, s1;
	s1 =	ssub.s32 $0x2, s1  }
0xa: {  	s12 =	sor.u32 $0x1C05, s31;
	s3 =	sor.u32 s23, s2;
	s2 =	rddreg [dreg:$0x1]  }
0xb: {  	s7 =	sadd.s32 s7, s6;
	s25 =	sshrl.u32 s1, $0x1;
	s26 =	sshrl.u32 s11, $0x2  }
0xc: {  	s11 =	simm.s32 $0x2780;
	s23 =	simm.s32 $0x4;
	s5 =	smul.u32 $0x4EC, s3  }
0xd: {  	s3 =	rddreg [dreg:$0x2];
	_ =	strace $0x8000004D;
	s24 =	sadd.s32 s9, s8  }
0xe: {  	s1 =	ssub.s32 s1, s25;
	s7 =	sadd.s32 $0x55800, s7;
	s25 =	simm.s32 $0x4E00  }
0xf: {  	s8 =	sshrl.u32 s24, $0x3;
	s13 =	sadd.s32 s26, s3;
	s9 =	smax.u32 s1, $0x1  }
0x10: {  	s24 =	simm.s32 $0x2728;
	s26 =	simm.s32 $0x4E38;
	s10 =	sadd.s32 s5, s6  }
0x11: {  	s5 =	sadd.s32 $0x3000, s6;
	s8 =	sadd.s32 s8, s6;
	s13 =	sshrl.u32 s13, $0x3  }
0x12: {  	s6 =	sadd.s32 $0x5A800, s10;
	s8 =	sadd.s32 $0x64600, s8;
	s10 =	simm.s32 $0x5  }
.LBB2_1:
0x13: {  	[tilespmem:s4], [sflag:$0x5] =	stream.linear.gather [hbm4b:s6+s4], $0x2760, $0x38;
	[tilespmem:$0x1FF00] =	vst v63  }
0x14: {  	_ =	swait.ge [sflag:s10], $0x2760  }
0x15: {  	[sflag:s10] =	ssyncset.done $0x0  }
0x16: {  	[sflag:s10] =	ssyncadd.s32 $0xFFFFD8A0  }
0x17: {  	[tilespmem:s11], [sflag:$0x5] =	stream.linear.gather [hbm4b:s7+s4], $0x2760, $0x38;
	[tilespmem:$0x1FF00] =	vst v63  }
0x18: {  	_ =	swait.ge [sflag:s10], $0x2760  }
0x19: {  	[sflag:s10] =	ssyncset.done $0x0  }
0x1a: {  	[sflag:s10] =	ssyncadd.s32 $0xFFFFD8A0  }
0x1b: {  	[spmem:s13], [sflag:s12] =	dma.local [hbm:s5], $0x2800  }
0x1c: {  	_ =	swait.ge [sflag:s10], $0x2800  }
0x1d: {  	[sflag:s10] =	ssyncset.done $0x0  }
0x1e: {  	[sflag:s10] =	ssyncadd.s32 $0xFFFFD800  }
0x1f: {  	[tilespmem:s15], [sflag:$0x1] =	stream.indirect.gather [hbm4b:s2+s14], $0x80, s4, s14, $0xb8;
	[tilespmem:$0x1FF00] =	vst v63  }
0x20: {  	_ = 	snop  }
0x21: {  	[tilespmem:s16], [sflag:$0x2] =	stream.indirect.gather [hbm4b:s2+s14], $0x80, s14, s14, $0xb8;
	[tilespmem:$0x1FF00] =	vst v63  }
0x22: {  	_ = 	snop  }
0x23: {  	[tilespmem:s18], [sflag:$0x3] =	stream.indirect.gather [hbm4b:s2+s14], $0x80, s17, s14, $0xb8;
	[tilespmem:$0x1FF00] =	vst v63  }
0x24: {  	[bflag:$0x0] =	sbarrier.arrive $0xFFFF  }
0x25: {  	_ =	swait.ge [sflag:s19], $0x1C00  }
0x26: {  	[sflag:s19] =	ssyncset.done $0x0  }
0x27: {  	s1 =	simm.s32 $0xA8;
	[sflag:s19] =	ssyncadd.s32 $0xFFFFE400  }
0x28: {  	[tilespmem:s20], [sflag:$0x4] =	stream.indirect.gather [hbm4b:s2+s14], $0x80, s1, s14, $0xb8;
	[tilespmem:$0x1FF00] =	vst v63  }
0x29: {  	s0 =	simm.s32 $0x2780  }
0x2a: {  	[spmem:s3] =	stream.indirect.scatter.add.f32 [tilespmem:s15], [sflag:$0x5], $0x80, s0, s14, $0xb8;
	[tilespmem:$0x1FF00] =	vst v63  }
0x2b: {  	_ =	swait.ge [sflag:s10], $0x1C00  }
0x2c: {  	[sflag:s10] =	ssyncset.done $0x0  }
0x2d: {  	[sflag:s10] =	ssyncadd.s32 $0xFFFFE400  }
0x2e: {  	_ =	swait.ge [sflag:s21], $0x1C00  }
0x2f: {  	[sflag:s21] =	ssyncset.done $0x0  }
0x30: {  	s0 =	simm.s32 $0xE0;
	[sflag:s21] =	ssyncadd.s32 $0xFFFFE400  }
0x31: {  	[tilespmem:s15], [sflag:$0x1] =	stream.indirect.gather [hbm4b:s2+s14], $0x80, s0, s14, $0xb8;
	[tilespmem:$0x1FF00] =	vst v63  }
0x32: {  	s0 =	simm.s32 $0x27B8  }
0x33: {  	[spmem:s3] =	stream.indirect.scatter.add.f32 [tilespmem:s16], [sflag:$0x5], $0x80, s0, s14, $0xb8;
	[tilespmem:$0x1FF00] =	vst v63  }
0x34: {  	_ =	swait.ge [sflag:s10], $0x1C00  }
0x35: {  	[sflag:s10] =	ssyncset.done $0x0  }
0x36: {  	[sflag:s10] =	ssyncadd.s32 $0xFFFFE400  }
0x37: {  	_ =	swait.ge [sflag:s22], $0x1C00  }
0x38: {  	[sflag:s22] =	ssyncset.done $0x0  }
0x39: {  	s0 =	simm.s32 $0x118;
	[sflag:s22] =	ssyncadd.s32 $0xFFFFE400  }
0x3a: {  	[tilespmem:s16], [sflag:$0x2] =	stream.indirect.gather [hbm4b:s2+s14], $0x80, s0, s14, $0xb8;
	[tilespmem:$0x1FF00] =	vst v63  }
0x3b: {  	s0 =	simm.s32 $0x27F0  }
0x3c: {  	[spmem:s3] =	stream.indirect.scatter.add.f32 [tilespmem:s18], [sflag:$0x5], $0x80, s0, s14, $0xb8;
	[tilespmem:$0x1FF00] =	vst v63  }
0x3d: {  	_ =	swait.ge [sflag:s10], $0x1C00  }
0x3e: {  	[sflag:s10] =	ssyncset.done $0x0  }
0x3f: {  	[sflag:s10] =	ssyncadd.s32 $0xFFFFE400  }
0x40: {  	_ =	swait.ge [sflag:s23], $0x1C00  }
0x41: {  	[sflag:s23] =	ssyncset.done $0x0  }
0x42: {  	s0 =	simm.s32 $0x150;
	[sflag:s23] =	ssyncadd.s32 $0xFFFFE400  }
0x43: {  	[tilespmem:s18], [sflag:$0x3] =	stream.indirect.gather [hbm4b:s2+s14], $0x80, s0, s14, $0xb8;
	[tilespmem:$0x1FF00] =	vst v63  }
0x44: {  	s0 =	simm.s32 $0x2828  }
0x45: {  	[spmem:s3] =	stream.indirect.scatter.add.f32 [tilespmem:s20], [sflag:$0x5], $0x80, s0, s14, $0xb8;
	[tilespmem:$0x1FF00] =	vst v63  }
0x46: {  	_ =	swait.ge [sflag:s10], $0x1C00  }
0x47: {  	s31 =	simm.s32 $0x380;
	[sflag:s10] =	ssyncset.done $0x0  }
.LBB2_2:
0x48: {  	p0 =	sne.s32 s31, $0x9680  }
0x49: {  	[sflag:s10] =	ssyncadd.s32 $0xFFFFE400;
	s1 =	smov.u32 s31;
	s31 =	sadd.s32 $0x380, s31  }
0x4a: {  	_ = 	snop  }
0x4b: {  	_ =	swait.ge [sflag:s19], $0x1C00  }
0x4c: {  	s1 =	sshra.s32 s1, $0x2;
	[sflag:s19] =	ssyncset.done $0x0  }
0x4d: {  	s0 =	sadd.s32 $0xA8, s1;
	[sflag:s19] =	ssyncadd.s32 $0xFFFFE400  }
0x4e: {  	[tilespmem:s20], [sflag:$0x4] =	stream.indirect.gather [hbm4b:s2+s14], $0x80, s0, s14, $0xb8;
	[tilespmem:$0x1FF00] =	vst v63  }
0x4f: {  	s0 =	sadd.s32 $0x2780, s1  }
0x50: {  	[spmem:s3] =	stream.indirect.scatter.add.f32 [tilespmem:s15], [sflag:$0x5], $0x80, s0, s14, $0xb8;
	[tilespmem:$0x1FF00] =	vst v63  }
0x51: {  	_ =	swait.ge [sflag:s10], $0x1C00  }
0x52: {  	[sflag:s10] =	ssyncset.done $0x0  }
0x53: {  	[sflag:s10] =	ssyncadd.s32 $0xFFFFE400  }
0x54: {  	_ =	swait.ge [sflag:s21], $0x1C00  }
0x55: {  	[sflag:s21] =	ssyncset.done $0x0  }
0x56: {  	s0 =	sadd.s32 $0xE0, s1;
	[sflag:s21] =	ssyncadd.s32 $0xFFFFE400  }
0x57: {  	[tilespmem:s15], [sflag:$0x1] =	stream.indirect.gather [hbm4b:s2+s14], $0x80, s0, s14, $0xb8;
	[tilespmem:$0x1FF00] =	vst v63  }
0x58: {  	s0 =	sadd.s32 $0x27B8, s1  }
0x59: {  	[spmem:s3] =	stream.indirect.scatter.add.f32 [tilespmem:s16], [sflag:$0x5], $0x80, s0, s14, $0xb8;
	[tilespmem:$0x1FF00] =	vst v63  }
0x5a: {  	_ =	swait.ge [sflag:s10], $0x1C00  }
0x5b: {  	[sflag:s10] =	ssyncset.done $0x0  }
0x5c: {  	[sflag:s10] =	ssyncadd.s32 $0xFFFFE400  }
0x5d: {  	_ =	swait.ge [sflag:s22], $0x1C00  }
0x5e: {  	[sflag:s22] =	ssyncset.done $0x0  }
0x5f: {  	s0 =	sadd.s32 $0x118, s1;
	[sflag:s22] =	ssyncadd.s32 $0xFFFFE400  }
0x60: {  	[tilespmem:s16], [sflag:$0x2] =	stream.indirect.gather [hbm4b:s2+s14], $0x80, s0, s14, $0xb8;
	[tilespmem:$0x1FF00] =	vst v63  }
0x61: {  	s0 =	sadd.s32 $0x27F0, s1  }
0x62: {  	[spmem:s3] =	stream.indirect.scatter.add.f32 [tilespmem:s18], [sflag:$0x5], $0x80, s0, s14, $0xb8;
	[tilespmem:$0x1FF00] =	vst v63  }
0x63: {  	_ =	swait.ge [sflag:s10], $0x1C00  }
0x64: {  	[sflag:s10] =	ssyncset.done $0x0  }
0x65: {  	[sflag:s10] =	ssyncadd.s32 $0xFFFFE400  }
0x66: {  	_ =	swait.ge [sflag:s23], $0x1C00  }
0x67: {  	[sflag:s23] =	ssyncset.done $0x0  }
0x68: {  	s0 =	sadd.s32 $0x150, s1;
	[sflag:s23] =	ssyncadd.s32 $0xFFFFE400  }
0x69: {  	[tilespmem:s18], [sflag:$0x3] =	stream.indirect.gather [hbm4b:s2+s14], $0x80, s0, s14, $0xb8;
	[tilespmem:$0x1FF00] =	vst v63  }
.Ltmp0:
0x6a: {  	_ = 	snop;
	(pc) =	sbr.rel @p0 .LBB2_2-.Ltmp0, $4  }
0x6b: {  	s0 =	sadd.s32 $0x2828, s1  }
0x6c: {  	[spmem:s3] =	stream.indirect.scatter.add.f32 [tilespmem:s20], [sflag:$0x5], $0x80, s0, s14, $0xb8;
	[tilespmem:$0x1FF00] =	vst v63  }
0x6d: {  	_ =	swait.ge [sflag:s10], $0x1C00  }
0x6e: {  	[sflag:s10] =	ssyncset.done $0x0  }
0x6f: {  	[sflag:s10] =	ssyncadd.s32 $0xFFFFE400  }
0x70: {  	_ =	swait.ge [sflag:s19], $0x1C00  }
0x71: {  	[sflag:s19] =	ssyncset.done $0x0  }
0x72: {  	[sflag:s19] =	ssyncadd.s32 $0xFFFFE400  }
0x73: {  	[tilespmem:s20], [sflag:$0x4] =	stream.indirect.gather [hbm4b:s2+s14], $0x80, s24, s14, $0xb8;
	[tilespmem:$0x1FF00] =	vst v63  }
0x74: {  	_ = 	snop  }
0x75: {  	[spmem:s3] =	stream.indirect.scatter.add.f32 [tilespmem:s15], [sflag:$0x5], $0x80, s25, s14, $0xb8;
	[tilespmem:$0x1FF00] =	vst v63  }
0x76: {  	_ =	swait.ge [sflag:s10], $0x1C00  }
0x77: {  	[sflag:s10] =	ssyncset.done $0x0  }
0x78: {  	[sflag:s10] =	ssyncadd.s32 $0xFFFFE400  }
0x79: {  	_ =	swait.ge [sflag:s21], $0x1C00  }
0x7a: {  	[sflag:s21] =	ssyncset.done $0x0  }
0x7b: {  	[sflag:s21] =	ssyncadd.s32 $0xFFFFE400  }
0x7c: {  	[spmem:s3] =	stream.indirect.scatter.add.f32 [tilespmem:s16], [sflag:$0x5], $0x80, s26, s14, $0xb8;
	[tilespmem:$0x1FF00] =	vst v63  }
0x7d: {  	_ =	swait.ge [sflag:s10], $0x1C00  }
0x7e: {  	[sflag:s10] =	ssyncset.done $0x0  }
0x7f: {  	[sflag:s10] =	ssyncadd.s32 $0xFFFFE400  }
0x80: {  	_ =	swait.ge [sflag:s22], $0x1C00  }
0x81: {  	[sflag:s22] =	ssyncset.done $0x0  }
0x82: {  	[sflag:s22] =	ssyncadd.s32 $0xFFFFE400  }
0x83: {  	[spmem:s3] =	stream.indirect.scatter.add.f32 [tilespmem:s18], [sflag:$0x5], $0x80, s28, s14, $0xb8;
	[tilespmem:$0x1FF00] =	vst v63  }
0x84: {  	_ =	swait.ge [sflag:s10], $0x1C00  }
0x85: {  	[sflag:s10] =	ssyncset.done $0x0  }
0x86: {  	[sflag:s10] =	ssyncadd.s32 $0xFFFFE400  }
0x87: {  	_ =	swait.ge [sflag:s23], $0x1C00  }
0x88: {  	[sflag:s23] =	ssyncset.done $0x0  }
0x89: {  	[sflag:s23] =	ssyncadd.s32 $0xFFFFE400  }
0x8a: {  	[spmem:s3] =	stream.indirect.scatter.add.f32 [tilespmem:s20], [sflag:$0x5], $0x80, s29, s14, $0xb8;
	[tilespmem:$0x1FF00] =	vst v63  }
0x8b: {  	_ =	swait.ge [sflag:s10], $0x1C00  }
0x8c: {  	s30 =	sadd.s32 $0x1, s30;
	[sflag:s10] =	ssyncset.done $0x0  }
0x8d: {  	p0 =	sne.s32 s30, s9;
	[sflag:s10] =	ssyncadd.s32 $0xFFFFE400  }
.Ltmp1:
0x8e: {  	[bflag:$0x0] =	sbarrier.arrive $0xFFFF;
	(pc) =	sbr.rel @p0 .LBB2_1-.Ltmp1, $4  }
0x8f: {  	[hbm:s8], [sflag:s12] =	dma.local [spmem:s13], $0x2800  }
0x90: {  	_ =	swait.ge [sflag:s10], $0x2800  }
0x91: {  	[sflag:s10] =	ssyncset.done $0x0  }
0x92: {  	[sflag:s10] =	ssyncadd.s32 $0xFFFFD800  }
0x93: {  	_ =	sfence.sel $0x180000  }
0x94: {  	[bflag:$0x0] =	sbarrier.arrive $0xFFFF  }
0x95: {  	_ =	strace $0x9000004D  }
0x96: {  	s0 =	stileid.u32;
	[bflag:$0x2] =	sbarrier.arrive $0xFFFF  }
0x97: {  	p0 =	sne.s32 s0, $0x0;
	s0 =	rddreg [dreg:$0x3]  }
0x98: {  	s0 =	sadd.s32 @!p0 $0x100000, s0  }
0x99: {  	[sflag:s0] =	ssyncadd.tile.s32 @!p0 $0x1;
	_ =	shalt  }
.Lfunc_end2:
_tile_overlayer_lowered:
.L_overlay_start_2:
0x9a: {  	(tag) =	ssettag $0x2  }
0x9b: {  	s0 =	rddreg [dreg:$0x0];
	s2 =	stileid.u32  }
0x9c: {  	s1 =	rddreg [dreg:$0x1];
	p0 =	sne.s32 s2, $0x0  }
0x9d: {  	s3 =	rddreg [dreg:$0x2];
	[bflag:$0x3] =	sbarrier.arrive $0xFFFF;
	s2 =	simm.s32 @!p0 $0x1C05  }
0x9e: {  	[timem:s3], [sflag:s2] =	dma.local @!p0 [hbm:s0], s1  }
0x9f: {  	s0 =	simm.s32 @!p0 $0x5  }
0xa0: {  	_ =	swait.ge @!p0 [sflag:s0], s1  }
0xa1: {  	s1 =	ssub.s32 @!p0 $0x0, s1;
	[sflag:s0] =	ssyncset.done @!p0 $0x0  }
0xa2: {  	[sflag:s0] =	ssyncadd.s32 @!p0 s1  }
0xa3: {  	[bflag:$0x3] =	sbarrier.arrive $0xFFFF  }
0xa4: {  	_ =	shalt  }

// kernel: kernel.9.cloned.1.call-start
scs
__scs_entry_jumppad:
0x0: {  	(pc) =	sbr.rel $0x88, $3  }
0x1: {  	(tag) =	ssettag $0x0;
	lr =	simm.s32 $0x1  }
0x2: {  	[smem:$0x3F9B] =	sst lr;
	_ =	strace $0xD0000000  }
0x3: {  	_ = 	snop  }
0x4: {  	_ = 	snop  }
0x5: {  	_ = 	snop  }
0x6: {  	_ = 	snop  }
0x7: {  	_ = 	snop  }
__scs_overlays_trampoline_lowered:
0x8: {  	[smem:$0x3FAA] =	sst s0  }
0x9: {  	[smem:$0x3FAB] =	sst s1  }
0xa: {  	[smem:$0x3FAC] =	sst s2  }
0xb: {  	[smem:$0x3FAD] =	sst s3  }
0xc: {  	[smem:$0x3FAE] =	sst s4  }
0xd: {  	[smem:$0x3FAF] =	sst s5  }
0xe: {  	[smem:$0x3FB0] =	sst s6  }
0xf: {  	[smem:$0x3FB1] =	sst s7  }
0x10: {  	[smem:$0x3FB2] =	sst s8  }
0x11: {  	[smem:$0x3FB3] =	sst s9;
	s0 =	simm.s32 @!p0 $0x0  }
0x12: {  	s1 =	sld [smem:$0x3F99];
	s0 =	simm.s32 @p0 $0x1  }
0x13: {  	[smem:$0x3FB4] =	sst s0;
	s0 =	simm.s32 @!p1 $0x0  }
0x14: {  	s2 =	sld [smem:$0x3F98];
	s0 =	simm.s32 @p1 $0x1  }
0x15: {  	[smem:$0x3FB5] =	sst s0;
	s0 =	simm.s32 @!p2 $0x0  }
0x16: {  	s3 =	sld [smem:$0x3FDB];
	s0 =	simm.s32 @p2 $0x1  }
0x17: {  	s4 =	simm.s32 $0x1BF5;
	[smem:$0x3FB7] =	sst s0  }
0x18: {  	s0 =	sld [smem:$0x3F9A];
	_ =	swait.ge [sflag:s4], $0x0  }
0x19: {  	s7 =	sld [smem:$0x3F9B]  }
0x1a: {  	s8 =	sadd.s32 $0xFFFFE003, lr  }
0x1b: {  	s9 =	sadd.s32 $0xFFFFFEF7, lr;
	s5 =	simm.s32 $0xFFFFFFFF;
	p2 =	slt.u32 s8, $0xFFFFF086  }
0x1c: {  	p1 =	slt.u32 s9, $0xF7A;
	s5 =	simm.s32 @!p2 $0x0  }
0x1d: {  	s5 =	simm.s32 @p1 $0x1;
	p0 =	seq.s32 s7, s2  }
0x1e: {  	s7 =	smul.u32 @!p0 $0xF7A, s2;
	p2 =	seq.s32 @!p0 s5, $0x0  }
0x1f: {  	s9 =	smul.u32 $0xF7A, s1;
	s8 =	simm.s32 @!p0 $0x1BF5;
	p2 =	por !p2, p0  }
0x20: {  	[sflag:s8] =	ssyncset.s32 @!p0 $0xFFFFF086;
	s6 =	sadd.s32 @!p0 s3, s7;
	s7 =	simm.s32 @!p0 $0x108  }
0x21: {  	s3 =	sadd.s32 s3, s9;
	s6 =	sadd.s32 @!p0 $0x88, s6;
	s7 =	simm.s32 @p2 $0x1082  }
0x22: {  	[simem:s7], [sflag:s8] =	dma.local @!p0 [hbm:s6], $0xF7A  }
0x23: {  	s9 =	sor.u32 $0xD0000000, s2;
	s6 =	simm.s32 $0x108;
	_ =	swait.ge @!p0 [sflag:s8], $0x0  }
0x24: {  	s3 =	sadd.s32 $0x88, s3;
	s6 =	simm.s32 @!p1 $0x1082;
	[sflag:s4] =	ssyncset.s32 $0xFFFFF086  }
0x25: {  	[simem:s6], [sflag:s4] =	dma.local [hbm:s3], $0xF7A  }
0x26: {  	[smem:$0x3F9B] =	sst s1;
	(tag) =	ssettag s2;
	_ =	strace s9  }
0x27: {  	s1 =	sld [smem:$0x3FAB]  }
0x28: {  	s2 =	sld [smem:$0x3FAC]  }
0x29: {  	s4 =	sld [smem:$0x3FAE]  }
0x2a: {  	p0 =	seq.s32 s5, $0x0;
	s5 =	sld [smem:$0x3FAF]  }
0x2b: {  	s6 =	sld [smem:$0x3FB0]  }
0x2c: {  	s7 =	sld [smem:$0x3FB1]  }
0x2d: {  	s3 =	simm.s32 $0x108;
	s8 =	sld [smem:$0x3FB2]  }
0x2e: {  	s3 =	simm.s32 @!p0 $0x1082;
	s9 =	sld [smem:$0x3FB3]  }
0x2f: {  	lr =	sadd.s32 s0, s3;
	s0 =	sld [smem:$0x3FAA]  }
0x30: {  	s3 =	sld [smem:$0x3FAD]  }
0x31: {  	[smem:$0x3FB6] =	sst s10  }
0x32: {  	s10 =	sld [smem:$0x3FB4];
	_ =	sdelay $0x3  }
0x33: {  	p0 =	seq.s32 s10, $0x1;
	s10 =	sld [smem:$0x3FB6];
	_ =	sdelay $0x3  }
0x34: {  	[smem:$0x3FB6] =	sst s10  }
0x35: {  	s10 =	sld [smem:$0x3FB5];
	_ =	sdelay $0x3  }
0x36: {  	p1 =	seq.s32 s10, $0x1;
	s10 =	sld [smem:$0x3FB6];
	_ =	sdelay $0x3  }
0x37: {  	[smem:$0x3FB6] =	sst s10  }
0x38: {  	s10 =	sld [smem:$0x3FB7]  }
0x39: {  	_ = 	snop;
	(pc) =	sbr.ind lr, $3  }
0x3a: {  	_ = 	snop  }
0x3b: {  	_ = 	snop  }
0x3c: {  	p2 =	seq.s32 s10, $0x1;
	s10 =	sld [smem:$0x3FB6]  }
0x3d: {  	_ =	shalt  }
0x3e: {  	_ =	shalt  }
0x3f: {  	_ =	shalt  }
0x40: {  	_ =	shalt  }
0x41: {  	_ =	shalt  }
0x42: {  	_ =	shalt  }
0x43: {  	_ =	shalt  }
0x44: {  	_ =	shalt  }
0x45: {  	_ =	shalt  }
0x46: {  	_ =	shalt  }
0x47: {  	_ =	shalt  }
0x48: {  	_ =	shalt  }
0x49: {  	_ =	shalt  }
0x4a: {  	_ =	shalt  }
0x4b: {  	_ =	shalt  }
0x4c: {  	_ =	shalt  }
0x4d: {  	_ =	shalt  }
0x4e: {  	_ =	shalt  }
0x4f: {  	_ =	shalt  }
0x50: {  	_ =	shalt  }
0x51: {  	_ =	shalt  }
0x52: {  	_ =	shalt  }
0x53: {  	_ =	shalt  }
0x54: {  	_ =	shalt  }
0x55: {  	_ =	shalt  }
0x56: {  	_ =	shalt  }
0x57: {  	_ =	shalt  }
0x58: {  	_ =	shalt  }
0x59: {  	_ =	shalt  }
0x5a: {  	_ =	shalt  }
0x5b: {  	_ =	shalt  }
0x5c: {  	_ =	shalt  }
0x5d: {  	_ =	shalt  }
0x5e: {  	_ =	shalt  }
0x5f: {  	_ =	shalt  }
0x60: {  	_ =	shalt  }
0x61: {  	_ =	shalt  }
0x62: {  	_ =	shalt  }
0x63: {  	_ =	shalt  }
0x64: {  	_ =	shalt  }
0x65: {  	_ =	shalt  }
0x66: {  	_ =	shalt  }
0x67: {  	_ =	shalt  }
0x68: {  	_ =	shalt  }
0x69: {  	_ =	shalt  }
0x6a: {  	_ =	shalt  }
0x6b: {  	_ =	shalt  }
0x6c: {  	_ =	shalt  }
0x6d: {  	_ =	shalt  }
0x6e: {  	_ =	shalt  }
0x6f: {  	_ =	shalt  }
0x70: {  	_ =	shalt  }
0x71: {  	_ =	shalt  }
0x72: {  	_ =	shalt  }
0x73: {  	_ =	shalt  }
0x74: {  	_ =	shalt  }
0x75: {  	_ =	shalt  }
0x76: {  	_ =	shalt  }
0x77: {  	_ =	shalt  }
0x78: {  	_ =	shalt  }
0x79: {  	_ =	shalt  }
0x7a: {  	_ =	shalt  }
0x7b: {  	_ =	shalt  }
0x7c: {  	_ =	shalt  }
0x7d: {  	_ =	shalt  }
0x7e: {  	_ =	shalt  }
0x7f: {  	_ =	shalt  }
0x80: {  	_ =	shalt  }
0x81: {  	_ =	shalt  }
0x82: {  	_ =	shalt  }
0x83: {  	_ =	shalt  }
0x84: {  	_ =	shalt  }
0x85: {  	_ =	shalt  }
0x86: {  	_ =	shalt  }
0x87: {  	_ =	shalt  }
.Lfunc_end0:
.L_simem_size_0:
called_computation_lowered:
.L_overlay_start_0:
0x88: {  	s2 =	sld [smem:$0x3FD9]  }
0x89: {  	s3 =	sld [smem:$0x3FFE];
	_ =	sdelay $0x1  }
0x8a: {  	s1 =	srdreg.scid  }
0x8b: {  	s0 =	sand.u32 $0x1, s1  }
0x8c: {  	s17 =	sshll.u32 s0, $0xA;
	s2 =	sadd.s32 s3, s2  }
0x8d: {  	s2 =	sadd.s32 s2, s17  }
0x8e: {  	[smem:$0x3FC2] =	sst s2  }
0x8f: {  	_ = 	snop  }
0x90: {  	s2 =	sld [smem:$0x3FD0];
	(tm) =	ssettm $0x1  }
0x91: {  	s18 =	sld [smem:$0x3FFB];
	_ =	sdelay $0x3  }
0x92: {  	_ =	strace s18  }
0x93: {  	s3 =	sld [smem:$0x3FFC];
	_ =	sdelay $0x3  }
0x94: {  	_ =	strace s3  }
0x95: {  	s3 =	sld [smem:$0x3FFD];
	_ =	sdelay $0x3  }
0x96: {  	_ =	strace s3  }
0x97: {  	_ =	strace $0x8FFFFFFF  }
0x98: {  	s19 =	sld [smem:$0x3FDB];
	_ =	sdelay $0x1  }
0x99: {  	s4 =	simm.s32 $_scs_section_size  }
0x9a: {  	s5 =	simm.s32 $_size__tile_overlayer_lowered;
	s6 =	simm.s32 $_tile_overlayer_lowered  }
0x9b: {  	s22 =	simm.s32 $0x1BFF;
	s21 =	sshll.u32 s6, $0x1;
	s3 =	sadd.s32 s4, s19  }
0x9c: {  	s7 =	simm.s32 $0x0;
	s20 =	sshll.u32 s5, $0x1;
	s5 =	sadd.s32 s21, s3  }
0x9d: {  	[timem:s7], [sflag:s22] =	dma.local [hbm:s5], s20  }
0x9e: {  	_ =	swait.ge [sflag:s22], s20  }
0x9f: {  	s4 =	ssub.s32 $0x0, s20;
	[sflag:s22] =	ssyncset.done $0x0  }
0xa0: {  	[sflag:s22] =	ssyncadd.s32 s4;
	_ =	sdelay $0x1  }
0xa1: {  	s23 =	simm.s32 $0x1B8B  }
0xa2: {  	_ =	swait.ge [sflag:s23], $0x1  }
0xa3: {  	[sflag:s23] =	ssyncset.done $0x0  }
0xa4: {  	s25 =	simm.s32 $0x1B8E;
	s24 =	sld [smem:$0x3FFE];
	[sflag:s23] =	ssyncadd.s32 $0xFFFFFFFF  }
0xa5: {  	s26 =	simm.s32 $execute0_lowered;
	[smem:$0x3FD2] =	sst s25  }
0xa6: {  	s5 =	sshll.u32 s26, $0x1;
	_ =	strace $0x80000046;
	[dreg:$0x1] =	wrdreg $0xFFFFFFFF  }
0xa7: {  	s28 =	simm.s32 $_size_execute0_lowered;
	s3 =	sadd.s32 s3, s5;
	[dreg:$0x0] =	wrdreg $0x0  }
0xa8: {  	s5 =	sshll.u32 s28, $0x1;
	[dreg:$0x2] =	wrdreg s3  }
0xa9: {  	[dreg:$0x3] =	wrdreg s5  }
0xaa: {  	[dreg:$0x4] =	wrdreg $0xC0  }
0xab: {  	_ =	task [dreg:s7], $0x5FFFF  }
0xac: {  	[dreg:$0x1] =	wrdreg $0xFFFFFFFF  }
0xad: {  	[dreg:$0x0] =	wrdreg $0x60  }
0xae: {  	[dreg:$0x2] =	wrdreg s2  }
0xaf: {  	[dreg:$0x3] =	wrdreg s24  }
0xb0: {  	[dreg:$0x4] =	wrdreg $0x54000  }
0xb1: {  	[dreg:$0x5] =	wrdreg $0x9  }
0xb2: {  	_ =	task.clear_ibuf [dreg:s7], $0x6FFFF;
	_ =	strace $0x90000046  }
0xb3: {  	s29 =	simm.s32 $0x9;
	_ =	strace $0x80000048  }
0xb4: {  	_ =	swait.ge [sflag:s29], $0x1  }
0xb5: {  	[sflag:s29] =	ssyncadd.s32 $0xFFFFFFFF  }
0xb6: {  	_ =	strace $0x90000048  }
0xb7: {  	_ =	sfence  }
0xb8: {  	s30 =	sld [smem:$0x0];
	_ =	sdelay $0x2  }
0xb9: {  	s31 =	sshll.u32 s1, $0xD;
	s1 =	sshrl.u32 s1, $0x2  }
0xba: {  	s3 =	sand.u32 $0x4000, s31;
	s1 =	sadd.s32 s1, s30  }
0xbb: {  	s0 =	sor.u32 s3, s0;
	s1 =	sshll.u32 s1, $0x11  }
0xbc: {  	s0 =	sor.u32 s1, s0  }
0xbd: {  	s0 =	sadd.s32 $0x8F2B, s0  }
0xbe: {  	[sflag:s0] =	ssyncadd.remote.s32 $0x1  }
0xbf: {  	_ =	sfence.sel $0xFFFF  }
0xc0: {  	[dreg:$0x0] =	wrdreg $0xFFFFFFFF;
	(pc) =	sbr.abs _section_cstart, $3  }
0xc1: {  	[dreg:$0x1] =	wrdreg $0xFFFFFFFF  }
0xc2: {  	_ =	task.clear_ibuf [dreg:s7], $0x2FFFF;
	_ =	strace $0x9FFFFFFF  }
0xc3: {  	(tm) =	ssettm $0x7FFFFFFF  }
tec
execute0_lowered:
.L_overlay_start_1:
0x0: {  	(tag) =	ssettag $0x1  }
0x1: {  	s7 =	rddreg [dreg:$0x0]  }
0x2: {  	s6 =	rddreg [dreg:$0x1]  }
0x3: {  	s1 =	rddreg [dreg:$0x2];
	s2 =	srdreg.scid  }
0x4: {  	s0 =	rddreg [dreg:$0x3];
	s3 =	simm.s32 $0x0;
	s13 =	simm.s32 $0x28  }
0x5: {  	s14 =	simm.s32 $0x1;
	s8 =	sand.u32 $0x1, s2;
	s2 =	stileid.u32  }
0x6: {  	s15 =	simm.s32 $0x0;
	[smem:$0x7FF] =	sst s3;
	s5 =	smul.u32 $0x140000, s8  }
0x7: {  	s4 =	sadd.s32 $0x2C00, s6;
	s9 =	smul.u32 $0x14000, s2;
	_ =	strace $0x80000047  }
0x8: {  	s10 =	ssub.s32 $0x2, s8;
	s11 =	smul.u32 $0x50000, s2;
	s30 =	sshll.u32 s2, $0x6  }
0x9: {  	s31 =	sshll.u32 s2, $0xB;
	s8 =	sshll.u32 s8, $0xF;
	s12 =	sshrl.u32 s10, $0x1  }
0xa: {  	s7 =	sadd.s32 s7, s31;
	s9 =	sadd.s32 s9, s5;
	s5 =	sadd.s32 $0x3000, s6  }
0xb: {  	s10 =	ssub.s32 s10, s12;
	s29 =	sshrl.u32 s11, $0x2;
	s9 =	sshrl.u32 s9, $0x3  }
0xc: {  	s7 =	sadd.s32 s8, s7;
	s12 =	simm.s32 $0x4000;
	s9 =	sadd.s32 s9, s6  }
0xd: {  	s11 =	sadd.s32 s29, s1;
	s6 =	sor.u32 $0x1C02, s30;
	s8 =	sadd.s32 $0x5800, s9  }
0xe: {  	s9 =	smax.u32 s10, $0x1;
	s10 =	sshrl.u32 s11, $0x3;
	s11 =	simm.s32 $0x2  }
.LBB2_1:
0xf: {  	[spmem:s10], [sflag:s6] =	dma.local [hbm:s5], $0x2800  }
0x10: {  	_ =	swait.ge [sflag:s11], $0x2800  }
0x11: {  	[sflag:s11] =	ssyncset.done $0x0  }
0x12: {  	[sflag:s11] =	ssyncadd.s32 $0xFFFFD800  }
0x13: {  	[tilespmem:s12], [sflag:$0x2] =	stream.linear.gather [hbm4b:s4+s3], $0x1400, $0x38;
	[tilespmem:$0x19400] =	vst v63  }
0x14: {  	_ =	swait.ge [sflag:s11], $0x1400  }
0x15: {  	[sflag:s11] =	ssyncset.done $0x0  }
0x16: {  	[sflag:s11] =	ssyncadd.s32 $0xFFFFEC00  }
0x17: {  	[tilespmem:s3], [sflag:$0x2] =	stream.linear.gather [hbm4b:s7+s3], $0x3E80, $0x38;
	[tilespmem:$0x19400] =	vst v63  }
0x18: {  	_ =	swait.ge [sflag:s11], $0x3E80  }
0x19: {  	[sflag:s11] =	ssyncset.done $0x0  }
0x1a: {  	[sflag:s11] =	ssyncadd.s32 $0xFFFFC180  }
0x1b: {  	s16 =	simm.s32 $0x0;
	[bflag:$0x0] =	sbarrier.arrive $0xFFFF  }
.LBB2_2:
0x1c: {  	p0 =	sne.s32 s16, $0xF800  }
.Ltmp0:
0x1d: {  	_ = 	snop;
	(pc) =	sbr.rel @p0 .LBB2_2-.Ltmp0, $3  }
0x1e: {  	_ =	sdelay $0x1  }
0x1f: {  	s17 =	sshra.s32 s16, $0x2;
	s16 =	sadd.s32 $0x200, s16  }
0x20: {  	[spmem:s1] =	stream.indirect.scatter.add.f32 [tilespmem:s12], [sflag:$0x1], $0x80, s17, s13, $0xb8;
	[tilespmem:$0x19400] =	vst v63  }
0x21: {  	_ =	swait.ge [sflag:s14], $0x1400  }
0x22: {  	s16 =	simm.s32 $0x7C;
	[sflag:s14] =	ssyncset.done $0x0  }
.LBB2_4:
0x23: {  	p0 =	sne.s32 s16, $0x1;
	s16 =	sadd.s32 $0xFFFFFFFF, s16;
	[sflag:s14] =	ssyncadd.s32 $0xFFFFEC00  }
.Ltmp1:
0x24: {  	(pc) =	sbr.rel @p0 .LBB2_4-.Ltmp1, $3  }
0x25: {  	_ =	sdelay $0x1  }
0x26: {  	_ =	swait.ge [sflag:s14], $0x1400  }
0x27: {  	[sflag:s14] =	ssyncset.done $0x0  }
0x28: {  	s15 =	sadd.s32 $0x1, s15  }
0x29: {  	[sflag:s14] =	ssyncadd.s32 $0xFFFFEC00;
	p0 =	sne.s32 s15, s9  }
.Ltmp2:
0x2a: {  	[bflag:$0x0] =	sbarrier.arrive $0xFFFF;
	(pc) =	sbr.rel @p0 .LBB2_1-.Ltmp2, $4  }
0x2b: {  	[hbm:s8], [sflag:s6] =	dma.local [spmem:s10], $0x2800  }
0x2c: {  	_ =	swait.ge [sflag:s11], $0x2800  }
0x2d: {  	[sflag:s11] =	ssyncset.done $0x0  }
0x2e: {  	[sflag:s11] =	ssyncadd.s32 $0xFFFFD800  }
0x2f: {  	_ =	sfence.sel $0x180000  }
0x30: {  	[bflag:$0x0] =	sbarrier.arrive $0xFFFF  }
0x31: {  	p0 =	sne.s32 s2, $0x0;
	_ =	strace $0x90000047  }
0x32: {  	s0 =	sadd.s32 @!p0 $0x100000, s0;
	[bflag:$0x2] =	sbarrier.arrive $0xFFFF  }
0x33: {  	[sflag:s0] =	ssyncadd.tile.s32 @!p0 $0x1;
	_ =	shalt  }
.Lfunc_end2:
_tile_overlayer_lowered:
.L_overlay_start_2:
0x34: {  	(tag) =	ssettag $0x2  }
0x35: {  	s0 =	rddreg [dreg:$0x0];
	s2 =	stileid.u32  }
0x36: {  	s1 =	rddreg [dreg:$0x1];
	p0 =	sne.s32 s2, $0x0  }
0x37: {  	s3 =	rddreg [dreg:$0x2];
	[bflag:$0x3] =	sbarrier.arrive $0xFFFF;
	s2 =	simm.s32 @!p0 $0x1C02  }
0x38: {  	[timem:s3], [sflag:s2] =	dma.local @!p0 [hbm:s0], s1  }
0x39: {  	s0 =	simm.s32 @!p0 $0x2  }
0x3a: {  	_ =	swait.ge @!p0 [sflag:s0], s1  }
0x3b: {  	s1 =	ssub.s32 @!p0 $0x0, s1;
	[sflag:s0] =	ssyncset.done @!p0 $0x0  }
0x3c: {  	[sflag:s0] =	ssyncadd.s32 @!p0 s1  }
0x3d: {  	[bflag:$0x3] =	sbarrier.arrive $0xFFFF  }
0x3e: {  	_ =	shalt  }

</sc_bundles>
